<compile_context>
chip_gen: v7x
topology: tpu7x:2x2x1
jax: 0.10.2.dev20260603
libtpu: 0.0.44.dev20260713+nightly
codegen_flags: <defaults>
</compile_context>

<pallas_src>
import functools

import jax
import jax.numpy as jnp
from jax import lax
from jax.experimental import pallas as pl
from jax.experimental.pallas import tpu as pltpu
from jax.experimental.pallas import tpu_sc as plsc


def _prep_kernel(emb_ref, w1_ref, t_ref):
    f32 = jnp.float32
    v, d = emb_ref.shape
    emb = emb_ref[...]
    nf = w1_ref.shape[1] // d
    t_ref[...] = jnp.zeros_like(t_ref)
    for i in range(nf):
        w1_i = w1_ref[:, i * d:(i + 1) * d]
        t_ref[i * v:(i + 1) * v, 0:d] = jax.lax.dot_general(
            emb, w1_i, (((1,), (1,)), ((), ())),
            preferred_element_type=f32)


def _mlp_kernel(h1p_ref, b1_ref, w2_ref, b2_ref, w3_ref, b3_ref, out_ref):
    f32 = jnp.float32
    x = h1p_ref[...] + b1_ref[...]
    alpha = 1.6732632423543772
    scale = 1.0507009873554805
    h1 = scale * jnp.where(x > 0, x, alpha * (jnp.exp(x) - 1.0))
    h2 = jnp.tanh(
        jax.lax.dot_general(h1, w2_ref[...], (((1,), (1,)), ((), ())),
                            preferred_element_type=f32) + b2_ref[...])
    out_ref[...] = (jnp.sum(h2 * w3_ref[...], axis=1, keepdims=True)
                    + b3_ref[0, 0])


def _make_sc_gather(b, ch):
    nw = 32
    b_per_w = b // nw
    nchunks = b_per_w // ch
    mesh = plsc.VectorSubcoreMesh(core_axis_name="c", subcore_axis_name="s")

    @functools.partial(
        pl.kernel, mesh=mesh,
        out_type=jax.ShapeDtypeStruct((b, 128), jnp.float32),
        scratch_types=[
            pltpu.VMEM((ch,), jnp.int32),
            pltpu.VMEM((ch, 128), jnp.float32),
            pltpu.VMEM((ch, 128), jnp.float32),
            pltpu.SemaphoreType.DMA,
        ],
    )
    def sc_gather(t_hbm, ids_hbm, out_hbm, idx_v, rows_v, acc_v, sem):
        nc = 2
        wid = lax.axis_index("s") * nc + lax.axis_index("c")
        base = wid * b_per_w

        def accumulate(i, carry):
            for k in range(8):
                sl = pl.ds(k * 16, 16)
                acc_v[i, sl] = acc_v[i, sl] + rows_v[i, sl]
            return carry

        for c in range(nchunks):
            off = base + c * ch
            pltpu.sync_copy(ids_hbm.at[pl.ds(off, ch)], idx_v)
            pltpu.async_copy(t_hbm.at[idx_v], acc_v, sem).wait()
            pltpu.sync_copy(ids_hbm.at[pl.ds(b + off, ch)], idx_v)
            pltpu.async_copy(t_hbm.at[idx_v], rows_v, sem).wait()
            lax.fori_loop(0, ch, accumulate, 0)
            pltpu.sync_copy(ids_hbm.at[pl.ds(2 * b + off, ch)], idx_v)
            pltpu.async_copy(t_hbm.at[idx_v], rows_v, sem).wait()
            lax.fori_loop(0, ch, accumulate, 0)
            pltpu.sync_copy(acc_v, out_hbm.at[pl.ds(off, ch)])

    return sc_gather


def kernel(vocab_ids, pos_emb, W1, b1, W2, b2, W3, b3):
    nf, b = vocab_ids.shape
    v, d = pos_emb.shape
    h = W1.shape[0]

    offs = (jnp.arange(nf, dtype=jnp.int32) * v)[:, None]
    ids_flat = (vocab_ids.astype(jnp.int32) + offs).reshape(-1)

    t_pad = pl.pallas_call(
        _prep_kernel,
        out_shape=jax.ShapeDtypeStruct((nf * v, 128), jnp.float32),
    )(pos_emb, W1)

    h1pre = _make_sc_gather(b, 256)(t_pad, ids_flat)

    b1p = jnp.pad(b1.reshape(1, -1), ((0, 0), (0, 128 - h)))
    w2p = jnp.pad(W2, ((0, 0), (0, 128 - d)))

    tb = 4096 if b % 4096 == 0 else b
    nb = b // tb
    return pl.pallas_call(
        _mlp_kernel,
        grid=(nb,),
        in_specs=[
            pl.BlockSpec((tb, 128), lambda i: (i, 0)),
            pl.BlockSpec((1, 128), lambda i: (0, 0)),
            pl.BlockSpec(w2p.shape, lambda i: (0, 0)),
            pl.BlockSpec((1, b2.shape[0]), lambda i: (0, 0)),
            pl.BlockSpec(W3.shape, lambda i: (0, 0)),
            pl.BlockSpec((1, 1), lambda i: (0, 0)),
        ],
        out_specs=pl.BlockSpec((tb, 1), lambda i: (i, 0)),
        out_shape=jax.ShapeDtypeStruct((b, 1), jnp.float32),
    )(h1pre, b1p, w2p, b2.reshape(1, -1), W3, b3.reshape(1, 1))

# --- scband reference (transcript-rebuilt; emitter-appended) ---
"""Pipeline reference for scband-spelling-model-4758823764238 (READ-ONLY COPY).

The authoritative reference and input builder live on the scoring server;
editing this copy changes nothing except your own understanding.
"""

import jax, jax.numpy as jnp
import numpy as np

B = 16384
VOCAB = 100
NDIMS = 100
NUM_FEATS = 3

def setup_inputs(seed: int = 0) -> dict:
    key = jax.random.key(seed)
    ks = jax.random.split(key, 8)
    vocab_ids = jax.random.randint(ks[0], (NUM_FEATS, B), 0, VOCAB, dtype=jnp.int64 if jax.config.jax_enable_x64 else jnp.int32)
    # Note: the original forward uses self.pos_embeddings for all three fields (faithful to source).
    pos_emb = jax.random.normal(ks[1], (VOCAB, NDIMS), dtype=jnp.float32) * 0.02
    W1 = jax.random.normal(ks[2], (NDIMS, NUM_FEATS * NDIMS), dtype=jnp.float32) * 0.05
    b1 = jnp.zeros((NDIMS,), dtype=jnp.float32)
    W2 = jax.random.normal(ks[3], (NDIMS, NDIMS), dtype=jnp.float32) * 0.05
    b2 = jnp.zeros((NDIMS,), dtype=jnp.float32)
    W3 = jax.random.normal(ks[4], (1, NDIMS), dtype=jnp.float32) * 0.05
    b3 = jnp.zeros((1,), dtype=jnp.float32)
    return {"vocab_ids": vocab_ids, "pos_emb": pos_emb, "W1": W1, "b1": b1, "W2": W2, "b2": b2, "W3": W3, "b3": b3}

def reference(vocab_ids, pos_emb, W1, b1, W2, b2, W3, b3):
    # Embedding lookups: the torch code calls self.pos_embeddings on all three index rows.
    mlp_ip = jnp.concatenate([jnp.take(pos_emb, vocab_ids[i], axis=0) for i in range(NUM_FEATS)], axis=1)
    h = jnp.dot(mlp_ip, W1.T) + b1
    h = jax.nn.selu(h)
    h = jnp.dot(h, W2.T) + b2
    h = jnp.tanh(h)
    # Dropout(0.1) in eval mode is identity.
    out = jnp.dot(h, W3.T) + b3
    return out

if __name__ == "__main__":
    import jax
    _d = setup_inputs()
    print(jax.jit(kernel)(*tuple(_d.values())))

</pallas_src>

<mosaic_0001>
#map = affine_map<(d0, d1) -> (0, 0)>
#map1 = affine_map<(d0, d1) -> (0)>
module attributes {stable_mosaic.version = 14 : i64} {
  func.func @sc_gather(%arg0: i32, %arg1: i32, %arg2: memref<300x128xf32, #tpu.memory_space<hbm>>, %arg3: memref<49152xi32, #tpu.memory_space<hbm>>, %arg4: memref<16384x128xf32, #tpu.memory_space<hbm>>, %arg5: memref<256xi32, #tpu.memory_space<vmem>>, %arg6: memref<256x128xf32, #tpu.memory_space<vmem>>, %arg7: memref<256x128xf32, #tpu.memory_space<vmem>>, %arg8: memref<!tpu.dma_semaphore, #tpu.memory_space<semaphore_mem>>) attributes {dimension_semantics = [#tpu.dimension_semantics<core_parallel>, #tpu.dimension_semantics<subcore_parallel>], iteration_bounds = array<i64: 2, 16>, scalar_prefetch = 0 : i64, scratch_operands = 4 : i64, tpu.core_type = #tpu.core_type<sc_vector_subcore>, window_params = [{transform_indices = #map}, {transform_indices = #map1}, {transform_indices = #map}]} {
    %mul3A = arith.constant 2 : i32
    %mul3A_0 = arith.muli %arg1, %mul3A : i32
    %add3A = arith.addi %mul3A_0, %arg0 : i32
    %mul3A_1 = arith.constant 512 : i32
    %mul3A_2 = arith.muli %add3A, %mul3A_1 : i32
    %add3A_3 = arith.constant 0 : i32
    %add3A_4 = arith.addi %mul3A_2, %add3A_3 : i32
    "tpu.region"() ({
      %run_scoped3A = tpu.sem_alloc : memref<!tpu.dma_semaphore, #tpu.memory_space<semaphore_mem>>
      %dma_start3A_72 = tpu.memref_slice %arg3[%add3A_4] : memref<49152xi32, #tpu.memory_space<hbm>> -> memref<256xi32, #tpu.memory_space<hbm>>
      %dma_start3A_73 = tpu.memref_slice %arg3[%add3A_4] : memref<49152xi32, #tpu.memory_space<hbm>> -> memref<256xi32, #tpu.memory_space<hbm>>
      tpu.enqueue_dma source(%dma_start3A_73 : memref<256xi32, #tpu.memory_space<hbm>>) target(%arg5 : memref<256xi32, #tpu.memory_space<vmem>>) target_semaphore(%run_scoped3A : memref<!tpu.dma_semaphore, #tpu.memory_space<semaphore_mem>>)
      %dma_wait3A_74 = tpu.memref_slice %arg3[%add3A_4] : memref<49152xi32, #tpu.memory_space<hbm>> -> memref<256xi32, #tpu.memory_space<hbm>>
      %dma_wait3A_75 = tpu.memref_slice %arg3[%add3A_4] : memref<49152xi32, #tpu.memory_space<hbm>> -> memref<256xi32, #tpu.memory_space<hbm>>
      tpu.wait_dma2 semaphore(%run_scoped3A : memref<!tpu.dma_semaphore, #tpu.memory_space<semaphore_mem>>) src(%dma_wait3A_75 : memref<256xi32, #tpu.memory_space<hbm>>) dst(%arg5 : memref<256xi32, #tpu.memory_space<vmem>>)
      tpu.yield
    }) : () -> ()
    %dma_start3A = arith.constant 0 : i32
    %dma_start3A_5 = arith.constant 0 : i32
    %dma_start3A_6 = tpu.memref_slice %arg2[%dma_start3A, %dma_start3A_5] : memref<300x128xf32, #tpu.memory_space<hbm>> -> memref<300x128xf32, #tpu.memory_space<hbm>>
    tpu.enqueue_indirect_dma source(%dma_start3A_6 : memref<300x128xf32, #tpu.memory_space<hbm>>) target(%arg7 : memref<256x128xf32, #tpu.memory_space<vmem>>) offsets(%arg5 : memref<256xi32, #tpu.memory_space<vmem>>) semaphore(%arg8 : memref<!tpu.dma_semaphore, #tpu.memory_space<semaphore_mem>>)
    %dma_wait3A = arith.constant 0 : i32
    %dma_wait3A_7 = arith.constant 0 : i32
    %dma_wait3A_8 = tpu.memref_slice %arg2[%dma_wait3A, %dma_wait3A_7] : memref<300x128xf32, #tpu.memory_space<hbm>> -> memref<300x128xf32, #tpu.memory_space<hbm>>
    tpu.wait_indirect_dma semaphore(%arg8 : memref<!tpu.dma_semaphore, #tpu.memory_space<semaphore_mem>>) src(%dma_wait3A_8 : memref<300x128xf32, #tpu.memory_space<hbm>>) dst(%arg7 : memref<256x128xf32, #tpu.memory_space<vmem>>)
    %add3A_9 = arith.constant 16384 : i32
    %add3A_10 = arith.addi %add3A_9, %add3A_4 : i32
    "tpu.region"() ({
      %run_scoped3A = tpu.sem_alloc : memref<!tpu.dma_semaphore, #tpu.memory_space<semaphore_mem>>
      %dma_start3A_72 = tpu.memref_slice %arg3[%add3A_10] : memref<49152xi32, #tpu.memory_space<hbm>> -> memref<256xi32, #tpu.memory_space<hbm>>
      %dma_start3A_73 = tpu.memref_slice %arg3[%add3A_10] : memref<49152xi32, #tpu.memory_space<hbm>> -> memref<256xi32, #tpu.memory_space<hbm>>
      tpu.enqueue_dma source(%dma_start3A_73 : memref<256xi32, #tpu.memory_space<hbm>>) target(%arg5 : memref<256xi32, #tpu.memory_space<vmem>>) target_semaphore(%run_scoped3A : memref<!tpu.dma_semaphore, #tpu.memory_space<semaphore_mem>>)
      %dma_wait3A_74 = tpu.memref_slice %arg3[%add3A_10] : memref<49152xi32, #tpu.memory_space<hbm>> -> memref<256xi32, #tpu.memory_space<hbm>>
      %dma_wait3A_75 = tpu.memref_slice %arg3[%add3A_10] : memref<49152xi32, #tpu.memory_space<hbm>> -> memref<256xi32, #tpu.memory_space<hbm>>
      tpu.wait_dma2 semaphore(%run_scoped3A : memref<!tpu.dma_semaphore, #tpu.memory_space<semaphore_mem>>) src(%dma_wait3A_75 : memref<256xi32, #tpu.memory_space<hbm>>) dst(%arg5 : memref<256xi32, #tpu.memory_space<vmem>>)
      tpu.yield
    }) : () -> ()
    %dma_start3A_11 = arith.constant 0 : i32
    %dma_start3A_12 = arith.constant 0 : i32
    %dma_start3A_13 = tpu.memref_slice %arg2[%dma_start3A_11, %dma_start3A_12] : memref<300x128xf32, #tpu.memory_space<hbm>> -> memref<300x128xf32, #tpu.memory_space<hbm>>
    tpu.enqueue_indirect_dma source(%dma_start3A_13 : memref<300x128xf32, #tpu.memory_space<hbm>>) target(%arg6 : memref<256x128xf32, #tpu.memory_space<vmem>>) offsets(%arg5 : memref<256xi32, #tpu.memory_space<vmem>>) semaphore(%arg8 : memref<!tpu.dma_semaphore, #tpu.memory_space<semaphore_mem>>)
    %dma_wait3A_14 = arith.constant 0 : i32
    %dma_wait3A_15 = arith.constant 0 : i32
    %dma_wait3A_16 = tpu.memref_slice %arg2[%dma_wait3A_14, %dma_wait3A_15] : memref<300x128xf32, #tpu.memory_space<hbm>> -> memref<300x128xf32, #tpu.memory_space<hbm>>
    tpu.wait_indirect_dma semaphore(%arg8 : memref<!tpu.dma_semaphore, #tpu.memory_space<semaphore_mem>>) src(%dma_wait3A_16 : memref<300x128xf32, #tpu.memory_space<hbm>>) dst(%arg6 : memref<256x128xf32, #tpu.memory_space<vmem>>)
    %scan3A = arith.constant 0 : i32
    %scan3A_17 = arith.constant 0 : i32
    %scan3A_18 = arith.constant 256 : i32
    %scan3A_19 = arith.addi %scan3A_17, %scan3A_18 : i32
    %scan3A_20 = arith.constant 1 : i32
    scf.for %scan3A_72 = %scan3A_17 to %scan3A_19 step %scan3A_20  : i32 {
      %get3A = arith.index_cast %scan3A_72 : i32 to index
      %get3A_73 = arith.constant 0 : index
      %get3A_74 = tpu.vector_load %arg7[%get3A, %get3A_73] {strides = array<i32>} : memref<256x128xf32, #tpu.memory_space<vmem>>, vector<1x16xf32>,
      %get3A_75 = vector.shape_cast %get3A_74 : vector<1x16xf32> to vector<16xf32>
      %get3A_76 = arith.index_cast %scan3A_72 : i32 to index
      %get3A_77 = arith.constant 0 : index
      %get3A_78 = tpu.vector_load %arg6[%get3A_76, %get3A_77] {strides = array<i32>} : memref<256x128xf32, #tpu.memory_space<vmem>>, vector<1x16xf32>,
      %get3A_79 = vector.shape_cast %get3A_78 : vector<1x16xf32> to vector<16xf32>
      %add3A_80 = arith.addf %get3A_75, %get3A_79 : vector<16xf32>
      %swap3A = arith.index_cast %scan3A_72 : i32 to index
      %swap3A_81 = arith.constant 0 : index
      %swap3A_82 = tpu.vector_load %arg7[%swap3A, %swap3A_81] {strides = array<i32>} : memref<256x128xf32, #tpu.memory_space<vmem>>, vector<1x16xf32>,
      %swap3A_83 = vector.shape_cast %swap3A_82 : vector<1x16xf32> to vector<16xf32>
      %swap3A_84 = vector.shape_cast %add3A_80 : vector<16xf32> to vector<1x16xf32>
      tpu.vector_store %arg7[%swap3A, %swap3A_81], %swap3A_84 {strides = array<i32>} : memref<256x128xf32, #tpu.memory_space<vmem>>, vector<1x16xf32>,
      %get3A_85 = arith.index_cast %scan3A_72 : i32 to index
      %get3A_86 = arith.constant 16 : index
      %get3A_87 = tpu.vector_load %arg7[%get3A_85, %get3A_86] {strides = array<i32>} : memref<256x128xf32, #tpu.memory_space<vmem>>, vector<1x16xf32>,
      %get3A_88 = vector.shape_cast %get3A_87 : vector<1x16xf32> to vector<16xf32>
      %get3A_89 = arith.index_cast %scan3A_72 : i32 to index
      %get3A_90 = arith.constant 16 : index
      %get3A_91 = tpu.vector_load %arg6[%get3A_89, %get3A_90] {strides = array<i32>} : memref<256x128xf32, #tpu.memory_space<vmem>>, vector<1x16xf32>,
      %get3A_92 = vector.shape_cast %get3A_91 : vector<1x16xf32> to vector<16xf32>
      %add3A_93 = arith.addf %get3A_88, %get3A_92 : vector<16xf32>
      %swap3A_94 = arith.index_cast %scan3A_72 : i32 to index
      %swap3A_95 = arith.constant 16 : index
      %swap3A_96 = tpu.vector_load %arg7[%swap3A_94, %swap3A_95] {strides = array<i32>} : memref<256x128xf32, #tpu.memory_space<vmem>>, vector<1x16xf32>,
      %swap3A_97 = vector.shape_cast %swap3A_96 : vector<1x16xf32> to vector<16xf32>
      %swap3A_98 = vector.shape_cast %add3A_93 : vector<16xf32> to vector<1x16xf32>
      tpu.vector_store %arg7[%swap3A_94, %swap3A_95], %swap3A_98 {strides = array<i32>} : memref<256x128xf32, #tpu.memory_space<vmem>>, vector<1x16xf32>,
      %get3A_99 = arith.index_cast %scan3A_72 : i32 to index
      %get3A_100 = arith.constant 32 : index
      %get3A_101 = tpu.vector_load %arg7[%get3A_99, %get3A_100] {strides = array<i32>} : memref<256x128xf32, #tpu.memory_space<vmem>>, vector<1x16xf32>,
      %get3A_102 = vector.shape_cast %get3A_101 : vector<1x16xf32> to vector<16xf32>
      %get3A_103 = arith.index_cast %scan3A_72 : i32 to index
      %get3A_104 = arith.constant 32 : index
      %get3A_105 = tpu.vector_load %arg6[%get3A_103, %get3A_104] {strides = array<i32>} : memref<256x128xf32, #tpu.memory_space<vmem>>, vector<1x16xf32>,
      %get3A_106 = vector.shape_cast %get3A_105 : vector<1x16xf32> to vector<16xf32>
      %add3A_107 = arith.addf %get3A_102, %get3A_106 : vector<16xf32>
      %swap3A_108 = arith.index_cast %scan3A_72 : i32 to index
      %swap3A_109 = arith.constant 32 : index
      %swap3A_110 = tpu.vector_load %arg7[%swap3A_108, %swap3A_109] {strides = array<i32>} : memref<256x128xf32, #tpu.memory_space<vmem>>, vector<1x16xf32>,
      %swap3A_111 = vector.shape_cast %swap3A_110 : vector<1x16xf32> to vector<16xf32>
      %swap3A_112 = vector.shape_cast %add3A_107 : vector<16xf32> to vector<1x16xf32>
      tpu.vector_store %arg7[%swap3A_108, %swap3A_109], %swap3A_112 {strides = array<i32>} : memref<256x128xf32, #tpu.memory_space<vmem>>, vector<1x16xf32>,
      %get3A_113 = arith.index_cast %scan3A_72 : i32 to index
      %get3A_114 = arith.constant 48 : index
      %get3A_115 = tpu.vector_load %arg7[%get3A_113, %get3A_114] {strides = array<i32>} : memref<256x128xf32, #tpu.memory_space<vmem>>, vector<1x16xf32>,
      %get3A_116 = vector.shape_cast %get3A_115 : vector<1x16xf32> to vector<16xf32>
      %get3A_117 = arith.index_cast %scan3A_72 : i32 to index
      %get3A_118 = arith.constant 48 : index
      %get3A_119 = tpu.vector_load %arg6[%get3A_117, %get3A_118] {strides = array<i32>} : memref<256x128xf32, #tpu.memory_space<vmem>>, vector<1x16xf32>,
      %get3A_120 = vector.shape_cast %get3A_119 : vector<1x16xf32> to vector<16xf32>
      %add3A_121 = arith.addf %get3A_116, %get3A_120 : vector<16xf32>
      %swap3A_122 = arith.index_cast %scan3A_72 : i32 to index
      %swap3A_123 = arith.constant 48 : index
      %swap3A_124 = tpu.vector_load %arg7[%swap3A_122, %swap3A_123] {strides = array<i32>} : memref<256x128xf32, #tpu.memory_space<vmem>>, vector<1x16xf32>,
      %swap3A_125 = vector.shape_cast %swap3A_124 : vector<1x16xf32> to vector<16xf32>
      %swap3A_126 = vector.shape_cast %add3A_121 : vector<16xf32> to vector<1x16xf32>
      tpu.vector_store %arg7[%swap3A_122, %swap3A_123], %swap3A_126 {strides = array<i32>} : memref<256x128xf32, #tpu.memory_space<vmem>>, vector<1x16xf32>,
      %get3A_127 = arith.index_cast %scan3A_72 : i32 to index
      %get3A_128 = arith.constant 64 : index
      %get3A_129 = tpu.vector_load %arg7[%get3A_127, %get3A_128] {strides = array<i32>} : memref<256x128xf32, #tpu.memory_space<vmem>>, vector<1x16xf32>,
      %get3A_130 = vector.shape_cast %get3A_129 : vector<1x16xf32> to vector<16xf32>
      %get3A_131 = arith.index_cast %scan3A_72 : i32 to index
      %get3A_132 = arith.constant 64 : index
      %get3A_133 = tpu.vector_load %arg6[%get3A_131, %get3A_132] {strides = array<i32>} : memref<256x128xf32, #tpu.memory_space<vmem>>, vector<1x16xf32>,
      %get3A_134 = vector.shape_cast %get3A_133 : vector<1x16xf32> to vector<16xf32>
      %add3A_135 = arith.addf %get3A_130, %get3A_134 : vector<16xf32>
      %swap3A_136 = arith.index_cast %scan3A_72 : i32 to index
      %swap3A_137 = arith.constant 64 : index
      %swap3A_138 = tpu.vector_load %arg7[%swap3A_136, %swap3A_137] {strides = array<i32>} : memref<256x128xf32, #tpu.memory_space<vmem>>, vector<1x16xf32>,
      %swap3A_139 = vector.shape_cast %swap3A_138 : vector<1x16xf32> to vector<16xf32>
      %swap3A_140 = vector.shape_cast %add3A_135 : vector<16xf32> to vector<1x16xf32>
      tpu.vector_store %arg7[%swap3A_136, %swap3A_137], %swap3A_140 {strides = array<i32>} : memref<256x128xf32, #tpu.memory_space<vmem>>, vector<1x16xf32>,
      %get3A_141 = arith.index_cast %scan3A_72 : i32 to index
      %get3A_142 = arith.constant 80 : index
      %get3A_143 = tpu.vector_load %arg7[%get3A_141, %get3A_142] {strides = array<i32>} : memref<256x128xf32, #tpu.memory_space<vmem>>, vector<1x16xf32>,
      %get3A_144 = vector.shape_cast %get3A_143 : vector<1x16xf32> to vector<16xf32>
      %get3A_145 = arith.index_cast %scan3A_72 : i32 to index
      %get3A_146 = arith.constant 80 : index
      %get3A_147 = tpu.vector_load %arg6[%get3A_145, %get3A_146] {strides = array<i32>} : memref<256x128xf32, #tpu.memory_space<vmem>>, vector<1x16xf32>,
      %get3A_148 = vector.shape_cast %get3A_147 : vector<1x16xf32> to vector<16xf32>
      %add3A_149 = arith.addf %get3A_144, %get3A_148 : vector<16xf32>
      %swap3A_150 = arith.index_cast %scan3A_72 : i32 to index
      %swap3A_151 = arith.constant 80 : index
      %swap3A_152 = tpu.vector_load %arg7[%swap3A_150, %swap3A_151] {strides = array<i32>} : memref<256x128xf32, #tpu.memory_space<vmem>>, vector<1x16xf32>,
      %swap3A_153 = vector.shape_cast %swap3A_152 : vector<1x16xf32> to vector<16xf32>
      %swap3A_154 = vector.shape_cast %add3A_149 : vector<16xf32> to vector<1x16xf32>
      tpu.vector_store %arg7[%swap3A_150, %swap3A_151], %swap3A_154 {strides = array<i32>} : memref<256x128xf32, #tpu.memory_space<vmem>>, vector<1x16xf32>,
      %get3A_155 = arith.index_cast %scan3A_72 : i32 to index
      %get3A_156 = arith.constant 96 : index
      %get3A_157 = tpu.vector_load %arg7[%get3A_155, %get3A_156] {strides = array<i32>} : memref<256x128xf32, #tpu.memory_space<vmem>>, vector<1x16xf32>,
      %get3A_158 = vector.shape_cast %get3A_157 : vector<1x16xf32> to vector<16xf32>
      %get3A_159 = arith.index_cast %scan3A_72 : i32 to index
      %get3A_160 = arith.constant 96 : index
      %get3A_161 = tpu.vector_load %arg6[%get3A_159, %get3A_160] {strides = array<i32>} : memref<256x128xf32, #tpu.memory_space<vmem>>, vector<1x16xf32>,
      %get3A_162 = vector.shape_cast %get3A_161 : vector<1x16xf32> to vector<16xf32>
      %add3A_163 = arith.addf %get3A_158, %get3A_162 : vector<16xf32>
      %swap3A_164 = arith.index_cast %scan3A_72 : i32 to index
      %swap3A_165 = arith.constant 96 : index
      %swap3A_166 = tpu.vector_load %arg7[%swap3A_164, %swap3A_165] {strides = array<i32>} : memref<256x128xf32, #tpu.memory_space<vmem>>, vector<1x16xf32>,
      %swap3A_167 = vector.shape_cast %swap3A_166 : vector<1x16xf32> to vector<16xf32>
      %swap3A_168 = vector.shape_cast %add3A_163 : vector<16xf32> to vector<1x16xf32>
      tpu.vector_store %arg7[%swap3A_164, %swap3A_165], %swap3A_168 {strides = array<i32>} : memref<256x128xf32, #tpu.memory_space<vmem>>, vector<1x16xf32>,
      %get3A_169 = arith.index_cast %scan3A_72 : i32 to index
      %get3A_170 = arith.constant 112 : index
      %get3A_171 = tpu.vector_load %arg7[%get3A_169, %get3A_170] {strides = array<i32>} : memref<256x128xf32, #tpu.memory_space<vmem>>, vector<1x16xf32>,
      %get3A_172 = vector.shape_cast %get3A_171 : vector<1x16xf32> to vector<16xf32>
      %get3A_173 = arith.index_cast %scan3A_72 : i32 to index
      %get3A_174 = arith.constant 112 : index
      %get3A_175 = tpu.vector_load %arg6[%get3A_173, %get3A_174] {strides = array<i32>} : memref<256x128xf32, #tpu.memory_space<vmem>>, vector<1x16xf32>,
      %get3A_176 = vector.shape_cast %get3A_175 : vector<1x16xf32> to vector<16xf32>
      %add3A_177 = arith.addf %get3A_172, %get3A_176 : vector<16xf32>
      %swap3A_178 = arith.index_cast %scan3A_72 : i32 to index
      %swap3A_179 = arith.constant 112 : index
      %swap3A_180 = tpu.vector_load %arg7[%swap3A_178, %swap3A_179] {strides = array<i32>} : memref<256x128xf32, #tpu.memory_space<vmem>>, vector<1x16xf32>,
      %swap3A_181 = vector.shape_cast %swap3A_180 : vector<1x16xf32> to vector<16xf32>
      %swap3A_182 = vector.shape_cast %add3A_177 : vector<16xf32> to vector<1x16xf32>
      tpu.vector_store %arg7[%swap3A_178, %swap3A_179], %swap3A_182 {strides = array<i32>} : memref<256x128xf32, #tpu.memory_space<vmem>>, vector<1x16xf32>,
    }
    %scan3A_21 = arith.constant 256 : i32
    %add3A_22 = arith.constant 32768 : i32
    %add3A_23 = arith.addi %add3A_22, %add3A_4 : i32
    "tpu.region"() ({
      %run_scoped3A = tpu.sem_alloc : memref<!tpu.dma_semaphore, #tpu.memory_space<semaphore_mem>>
      %dma_start3A_72 = tpu.memref_slice %arg3[%add3A_23] : memref<49152xi32, #tpu.memory_space<hbm>> -> memref<256xi32, #tpu.memory_space<hbm>>
      %dma_start3A_73 = tpu.memref_slice %arg3[%add3A_23] : memref<49152xi32, #tpu.memory_space<hbm>> -> memref<256xi32, #tpu.memory_space<hbm>>
      tpu.enqueue_dma source(%dma_start3A_73 : memref<256xi32, #tpu.memory_space<hbm>>) target(%arg5 : memref<256xi32, #tpu.memory_space<vmem>>) target_semaphore(%run_scoped3A : memref<!tpu.dma_semaphore, #tpu.memory_space<semaphore_mem>>)
      %dma_wait3A_74 = tpu.memref_slice %arg3[%add3A_23] : memref<49152xi32, #tpu.memory_space<hbm>> -> memref<256xi32, #tpu.memory_space<hbm>>
      %dma_wait3A_75 = tpu.memref_slice %arg3[%add3A_23] : memref<49152xi32, #tpu.memory_space<hbm>> -> memref<256xi32, #tpu.memory_space<hbm>>
      tpu.wait_dma2 semaphore(%run_scoped3A : memref<!tpu.dma_semaphore, #tpu.memory_space<semaphore_mem>>) src(%dma_wait3A_75 : memref<256xi32, #tpu.memory_space<hbm>>) dst(%arg5 : memref<256xi32, #tpu.memory_space<vmem>>)
      tpu.yield
    }) : () -> ()
    %dma_start3A_24 = arith.constant 0 : i32
    %dma_start3A_25 = arith.constant 0 : i32
    %dma_start3A_26 = tpu.memref_slice %arg2[%dma_start3A_24, %dma_start3A_25] : memref<300x128xf32, #tpu.memory_space<hbm>> -> memref<300x128xf32, #tpu.memory_space<hbm>>
    tpu.enqueue_indirect_dma source(%dma_start3A_26 : memref<300x128xf32, #tpu.memory_space<hbm>>) target(%arg6 : memref<256x128xf32, #tpu.memory_space<vmem>>) offsets(%arg5 : memref<256xi32, #tpu.memory_space<vmem>>) semaphore(%arg8 : memref<!tpu.dma_semaphore, #tpu.memory_space<semaphore_mem>>)
    %dma_wait3A_27 = arith.constant 0 : i32
    %dma_wait3A_28 = arith.constant 0 : i32
    %dma_wait3A_29 = tpu.memref_slice %arg2[%dma_wait3A_27, %dma_wait3A_28] : memref<300x128xf32, #tpu.memory_space<hbm>> -> memref<300x128xf32, #tpu.memory_space<hbm>>
    tpu.wait_indirect_dma semaphore(%arg8 : memref<!tpu.dma_semaphore, #tpu.memory_space<semaphore_mem>>) src(%dma_wait3A_29 : memref<300x128xf32, #tpu.memory_space<hbm>>) dst(%arg6 : memref<256x128xf32, #tpu.memory_space<vmem>>)
    %scan3A_30 = arith.constant 0 : i32
    %scan3A_31 = arith.constant 0 : i32
    %scan3A_32 = arith.constant 256 : i32
    %scan3A_33 = arith.addi %scan3A_31, %scan3A_32 : i32
    %scan3A_34 = arith.constant 1 : i32
    scf.for %scan3A_72 = %scan3A_31 to %scan3A_33 step %scan3A_34  : i32 {
      %get3A = arith.index_cast %scan3A_72 : i32 to index
      %get3A_73 = arith.constant 0 : index
      %get3A_74 = tpu.vector_load %arg7[%get3A, %get3A_73] {strides = array<i32>} : memref<256x128xf32, #tpu.memory_space<vmem>>, vector<1x16xf32>,
      %get3A_75 = vector.shape_cast %get3A_74 : vector<1x16xf32> to vector<16xf32>
      %get3A_76 = arith.index_cast %scan3A_72 : i32 to index
      %get3A_77 = arith.constant 0 : index
      %get3A_78 = tpu.vector_load %arg6[%get3A_76, %get3A_77] {strides = array<i32>} : memref<256x128xf32, #tpu.memory_space<vmem>>, vector<1x16xf32>,
      %get3A_79 = vector.shape_cast %get3A_78 : vector<1x16xf32> to vector<16xf32>
      %add3A_80 = arith.addf %get3A_75, %get3A_79 : vector<16xf32>
      %swap3A = arith.index_cast %scan3A_72 : i32 to index
      %swap3A_81 = arith.constant 0 : index
      %swap3A_82 = tpu.vector_load %arg7[%swap3A, %swap3A_81] {strides = array<i32>} : memref<256x128xf32, #tpu.memory_space<vmem>>, vector<1x16xf32>,
      %swap3A_83 = vector.shape_cast %swap3A_82 : vector<1x16xf32> to vector<16xf32>
      %swap3A_84 = vector.shape_cast %add3A_80 : vector<16xf32> to vector<1x16xf32>
      tpu.vector_store %arg7[%swap3A, %swap3A_81], %swap3A_84 {strides = array<i32>} : memref<256x128xf32, #tpu.memory_space<vmem>>, vector<1x16xf32>,
      %get3A_85 = arith.index_cast %scan3A_72 : i32 to index
      %get3A_86 = arith.constant 16 : index
      %get3A_87 = tpu.vector_load %arg7[%get3A_85, %get3A_86] {strides = array<i32>} : memref<256x128xf32, #tpu.memory_space<vmem>>, vector<1x16xf32>,
      %get3A_88 = vector.shape_cast %get3A_87 : vector<1x16xf32> to vector<16xf32>
      %get3A_89 = arith.index_cast %scan3A_72 : i32 to index
      %get3A_90 = arith.constant 16 : index
      %get3A_91 = tpu.vector_load %arg6[%get3A_89, %get3A_90] {strides = array<i32>} : memref<256x128xf32, #tpu.memory_space<vmem>>, vector<1x16xf32>,
      %get3A_92 = vector.shape_cast %get3A_91 : vector<1x16xf32> to vector<16xf32>
      %add3A_93 = arith.addf %get3A_88, %get3A_92 : vector<16xf32>
      %swap3A_94 = arith.index_cast %scan3A_72 : i32 to index
      %swap3A_95 = arith.constant 16 : index
      %swap3A_96 = tpu.vector_load %arg7[%swap3A_94, %swap3A_95] {strides = array<i32>} : memref<256x128xf32, #tpu.memory_space<vmem>>, vector<1x16xf32>,
      %swap3A_97 = vector.shape_cast %swap3A_96 : vector<1x16xf32> to vector<16xf32>
      %swap3A_98 = vector.shape_cast %add3A_93 : vector<16xf32> to vector<1x16xf32>
      tpu.vector_store %arg7[%swap3A_94, %swap3A_95], %swap3A_98 {strides = array<i32>} : memref<256x128xf32, #tpu.memory_space<vmem>>, vector<1x16xf32>,
      %get3A_99 = arith.index_cast %scan3A_72 : i32 to index
      %get3A_100 = arith.constant 32 : index
      %get3A_101 = tpu.vector_load %arg7[%get3A_99, %get3A_100] {strides = array<i32>} : memref<256x128xf32, #tpu.memory_space<vmem>>, vector<1x16xf32>,
      %get3A_102 = vector.shape_cast %get3A_101 : vector<1x16xf32> to vector<16xf32>
      %get3A_103 = arith.index_cast %scan3A_72 : i32 to index
      %get3A_104 = arith.constant 32 : index
      %get3A_105 = tpu.vector_load %arg6[%get3A_103, %get3A_104] {strides = array<i32>} : memref<256x128xf32, #tpu.memory_space<vmem>>, vector<1x16xf32>,
      %get3A_106 = vector.shape_cast %get3A_105 : vector<1x16xf32> to vector<16xf32>
      %add3A_107 = arith.addf %get3A_102, %get3A_106 : vector<16xf32>
      %swap3A_108 = arith.index_cast %scan3A_72 : i32 to index
      %swap3A_109 = arith.constant 32 : index
      %swap3A_110 = tpu.vector_load %arg7[%swap3A_108, %swap3A_109] {strides = array<i32>} : memref<256x128xf32, #tpu.memory_space<vmem>>, vector<1x16xf32>,
      %swap3A_111 = vector.shape_cast %swap3A_110 : vector<1x16xf32> to vector<16xf32>
      %swap3A_112 = vector.shape_cast %add3A_107 : vector<16xf32> to vector<1x16xf32>
      tpu.vector_store %arg7[%swap3A_108, %swap3A_109], %swap3A_112 {strides = array<i32>} : memref<256x128xf32, #tpu.memory_space<vmem>>, vector<1x16xf32>,
      %get3A_113 = arith.index_cast %scan3A_72 : i32 to index
      %get3A_114 = arith.constant 48 : index
      %get3A_115 = tpu.vector_load %arg7[%get3A_113, %get3A_114] {strides = array<i32>} : memref<256x128xf32, #tpu.memory_space<vmem>>, vector<1x16xf32>,
      %get3A_116 = vector.shape_cast %get3A_115 : vector<1x16xf32> to vector<16xf32>
      %get3A_117 = arith.index_cast %scan3A_72 : i32 to index
      %get3A_118 = arith.constant 48 : index
      %get3A_119 = tpu.vector_load %arg6[%get3A_117, %get3A_118] {strides = array<i32>} : memref<256x128xf32, #tpu.memory_space<vmem>>, vector<1x16xf32>,
      %get3A_120 = vector.shape_cast %get3A_119 : vector<1x16xf32> to vector<16xf32>
      %add3A_121 = arith.addf %get3A_116, %get3A_120 : vector<16xf32>
      %swap3A_122 = arith.index_cast %scan3A_72 : i32 to index
      %swap3A_123 = arith.constant 48 : index
      %swap3A_124 = tpu.vector_load %arg7[%swap3A_122, %swap3A_123] {strides = array<i32>} : memref<256x128xf32, #tpu.memory_space<vmem>>, vector<1x16xf32>,
      %swap3A_125 = vector.shape_cast %swap3A_124 : vector<1x16xf32> to vector<16xf32>
      %swap3A_126 = vector.shape_cast %add3A_121 : vector<16xf32> to vector<1x16xf32>
      tpu.vector_store %arg7[%swap3A_122, %swap3A_123], %swap3A_126 {strides = array<i32>} : memref<256x128xf32, #tpu.memory_space<vmem>>, vector<1x16xf32>,
      %get3A_127 = arith.index_cast %scan3A_72 : i32 to index
      %get3A_128 = arith.constant 64 : index
      %get3A_129 = tpu.vector_load %arg7[%get3A_127, %get3A_128] {strides = array<i32>} : memref<256x128xf32, #tpu.memory_space<vmem>>, vector<1x16xf32>,
      %get3A_130 = vector.shape_cast %get3A_129 : vector<1x16xf32> to vector<16xf32>
      %get3A_131 = arith.index_cast %scan3A_72 : i32 to index
      %get3A_132 = arith.constant 64 : index
      %get3A_133 = tpu.vector_load %arg6[%get3A_131, %get3A_132] {strides = array<i32>} : memref<256x128xf32, #tpu.memory_space<vmem>>, vector<1x16xf32>,
      %get3A_134 = vector.shape_cast %get3A_133 : vector<1x16xf32> to vector<16xf32>
      %add3A_135 = arith.addf %get3A_130, %get3A_134 : vector<16xf32>
      %swap3A_136 = arith.index_cast %scan3A_72 : i32 to index
      %swap3A_137 = arith.constant 64 : index
      %swap3A_138 = tpu.vector_load %arg7[%swap3A_136, %swap3A_137] {strides = array<i32>} : memref<256x128xf32, #tpu.memory_space<vmem>>, vector<1x16xf32>,
      %swap3A_139 = vector.shape_cast %swap3A_138 : vector<1x16xf32> to vector<16xf32>
      %swap3A_140 = vector.shape_cast %add3A_135 : vector<16xf32> to vector<1x16xf32>
      tpu.vector_store %arg7[%swap3A_136, %swap3A_137], %swap3A_140 {strides = array<i32>} : memref<256x128xf32, #tpu.memory_space<vmem>>, vector<1x16xf32>,
      %get3A_141 = arith.index_cast %scan3A_72 : i32 to index
      %get3A_142 = arith.constant 80 : index
      %get3A_143 = tpu.vector_load %arg7[%get3A_141, %get3A_142] {strides = array<i32>} : memref<256x128xf32, #tpu.memory_space<vmem>>, vector<1x16xf32>,
      %get3A_144 = vector.shape_cast %get3A_143 : vector<1x16xf32> to vector<16xf32>
      %get3A_145 = arith.index_cast %scan3A_72 : i32 to index
      %get3A_146 = arith.constant 80 : index
      %get3A_147 = tpu.vector_load %arg6[%get3A_145, %get3A_146] {strides = array<i32>} : memref<256x128xf32, #tpu.memory_space<vmem>>, vector<1x16xf32>,
      %get3A_148 = vector.shape_cast %get3A_147 : vector<1x16xf32> to vector<16xf32>
      %add3A_149 = arith.addf %get3A_144, %get3A_148 : vector<16xf32>
      %swap3A_150 = arith.index_cast %scan3A_72 : i32 to index
      %swap3A_151 = arith.constant 80 : index
      %swap3A_152 = tpu.vector_load %arg7[%swap3A_150, %swap3A_151] {strides = array<i32>} : memref<256x128xf32, #tpu.memory_space<vmem>>, vector<1x16xf32>,
      %swap3A_153 = vector.shape_cast %swap3A_152 : vector<1x16xf32> to vector<16xf32>
      %swap3A_154 = vector.shape_cast %add3A_149 : vector<16xf32> to vector<1x16xf32>
      tpu.vector_store %arg7[%swap3A_150, %swap3A_151], %swap3A_154 {strides = array<i32>} : memref<256x128xf32, #tpu.memory_space<vmem>>, vector<1x16xf32>,
      %get3A_155 = arith.index_cast %scan3A_72 : i32 to index
      %get3A_156 = arith.constant 96 : index
      %get3A_157 = tpu.vector_load %arg7[%get3A_155, %get3A_156] {strides = array<i32>} : memref<256x128xf32, #tpu.memory_space<vmem>>, vector<1x16xf32>,
      %get3A_158 = vector.shape_cast %get3A_157 : vector<1x16xf32> to vector<16xf32>
      %get3A_159 = arith.index_cast %scan3A_72 : i32 to index
      %get3A_160 = arith.constant 96 : index
      %get3A_161 = tpu.vector_load %arg6[%get3A_159, %get3A_160] {strides = array<i32>} : memref<256x128xf32, #tpu.memory_space<vmem>>, vector<1x16xf32>,
      %get3A_162 = vector.shape_cast %get3A_161 : vector<1x16xf32> to vector<16xf32>
      %add3A_163 = arith.addf %get3A_158, %get3A_162 : vector<16xf32>
      %swap3A_164 = arith.index_cast %scan3A_72 : i32 to index
      %swap3A_165 = arith.constant 96 : index
      %swap3A_166 = tpu.vector_load %arg7[%swap3A_164, %swap3A_165] {strides = array<i32>} : memref<256x128xf32, #tpu.memory_space<vmem>>, vector<1x16xf32>,
      %swap3A_167 = vector.shape_cast %swap3A_166 : vector<1x16xf32> to vector<16xf32>
      %swap3A_168 = vector.shape_cast %add3A_163 : vector<16xf32> to vector<1x16xf32>
      tpu.vector_store %arg7[%swap3A_164, %swap3A_165], %swap3A_168 {strides = array<i32>} : memref<256x128xf32, #tpu.memory_space<vmem>>, vector<1x16xf32>,
      %get3A_169 = arith.index_cast %scan3A_72 : i32 to index
      %get3A_170 = arith.constant 112 : index
      %get3A_171 = tpu.vector_load %arg7[%get3A_169, %get3A_170] {strides = array<i32>} : memref<256x128xf32, #tpu.memory_space<vmem>>, vector<1x16xf32>,
      %get3A_172 = vector.shape_cast %get3A_171 : vector<1x16xf32> to vector<16xf32>
      %get3A_173 = arith.index_cast %scan3A_72 : i32 to index
      %get3A_174 = arith.constant 112 : index
      %get3A_175 = tpu.vector_load %arg6[%get3A_173, %get3A_174] {strides = array<i32>} : memref<256x128xf32, #tpu.memory_space<vmem>>, vector<1x16xf32>,
      %get3A_176 = vector.shape_cast %get3A_175 : vector<1x16xf32> to vector<16xf32>
      %add3A_177 = arith.addf %get3A_172, %get3A_176 : vector<16xf32>
      %swap3A_178 = arith.index_cast %scan3A_72 : i32 to index
      %swap3A_179 = arith.constant 112 : index
      %swap3A_180 = tpu.vector_load %arg7[%swap3A_178, %swap3A_179] {strides = array<i32>} : memref<256x128xf32, #tpu.memory_space<vmem>>, vector<1x16xf32>,
      %swap3A_181 = vector.shape_cast %swap3A_180 : vector<1x16xf32> to vector<16xf32>
      %swap3A_182 = vector.shape_cast %add3A_177 : vector<16xf32> to vector<1x16xf32>
      tpu.vector_store %arg7[%swap3A_178, %swap3A_179], %swap3A_182 {strides = array<i32>} : memref<256x128xf32, #tpu.memory_space<vmem>>, vector<1x16xf32>,
    }
    %scan3A_35 = arith.constant 256 : i32
    "tpu.region"() ({
      %run_scoped3A = tpu.sem_alloc : memref<!tpu.dma_semaphore, #tpu.memory_space<semaphore_mem>>
      %dma_start3A_72 = arith.constant 0 : i32
      %dma_start3A_73 = tpu.memref_slice %arg4[%add3A_4, %dma_start3A_72] : memref<16384x128xf32, #tpu.memory_space<hbm>> -> memref<256x128xf32, #tpu.memory_space<hbm>>
      %dma_start3A_74 = arith.constant 0 : i32
      %dma_start3A_75 = tpu.memref_slice %arg4[%add3A_4, %dma_start3A_74] : memref<16384x128xf32, #tpu.memory_space<hbm>> -> memref<256x128xf32, #tpu.memory_space<hbm>>
      tpu.enqueue_dma source(%arg7 : memref<256x128xf32, #tpu.memory_space<vmem>>) target(%dma_start3A_75 : memref<256x128xf32, #tpu.memory_space<hbm>>) target_semaphore(%run_scoped3A : memref<!tpu.dma_semaphore, #tpu.memory_space<semaphore_mem>>)
      %dma_wait3A_76 = arith.constant 0 : i32
      %dma_wait3A_77 = tpu.memref_slice %arg4[%add3A_4, %dma_wait3A_76] : memref<16384x128xf32, #tpu.memory_space<hbm>> -> memref<256x128xf32, #tpu.memory_space<hbm>>
      %dma_wait3A_78 = arith.constant 0 : i32
      %dma_wait3A_79 = tpu.memref_slice %arg4[%add3A_4, %dma_wait3A_78] : memref<16384x128xf32, #tpu.memory_space<hbm>> -> memref<256x128xf32, #tpu.memory_space<hbm>>
      tpu.wait_dma2 semaphore(%run_scoped3A : memref<!tpu.dma_semaphore, #tpu.memory_space<semaphore_mem>>) src(%arg7 : memref<256x128xf32, #tpu.memory_space<vmem>>) dst(%dma_wait3A_79 : memref<256x128xf32, #tpu.memory_space<hbm>>)
      tpu.yield
    }) : () -> ()
    %add3A_36 = arith.constant 256 : i32
    %add3A_37 = arith.addi %mul3A_2, %add3A_36 : i32
    "tpu.region"() ({
      %run_scoped3A = tpu.sem_alloc : memref<!tpu.dma_semaphore, #tpu.memory_space<semaphore_mem>>
      %dma_start3A_72 = tpu.memref_slice %arg3[%add3A_37] : memref<49152xi32, #tpu.memory_space<hbm>> -> memref<256xi32, #tpu.memory_space<hbm>>
      %dma_start3A_73 = tpu.memref_slice %arg3[%add3A_37] : memref<49152xi32, #tpu.memory_space<hbm>> -> memref<256xi32, #tpu.memory_space<hbm>>
      tpu.enqueue_dma source(%dma_start3A_73 : memref<256xi32, #tpu.memory_space<hbm>>) target(%arg5 : memref<256xi32, #tpu.memory_space<vmem>>) target_semaphore(%run_scoped3A : memref<!tpu.dma_semaphore, #tpu.memory_space<semaphore_mem>>)
      %dma_wait3A_74 = tpu.memref_slice %arg3[%add3A_37] : memref<49152xi32, #tpu.memory_space<hbm>> -> memref<256xi32, #tpu.memory_space<hbm>>
      %dma_wait3A_75 = tpu.memref_slice %arg3[%add3A_37] : memref<49152xi32, #tpu.memory_space<hbm>> -> memref<256xi32, #tpu.memory_space<hbm>>
      tpu.wait_dma2 semaphore(%run_scoped3A : memref<!tpu.dma_semaphore, #tpu.memory_space<semaphore_mem>>) src(%dma_wait3A_75 : memref<256xi32, #tpu.memory_space<hbm>>) dst(%arg5 : memref<256xi32, #tpu.memory_space<vmem>>)
      tpu.yield
    }) : () -> ()
    %dma_start3A_38 = arith.constant 0 : i32
    %dma_start3A_39 = arith.constant 0 : i32
    %dma_start3A_40 = tpu.memref_slice %arg2[%dma_start3A_38, %dma_start3A_39] : memref<300x128xf32, #tpu.memory_space<hbm>> -> memref<300x128xf32, #tpu.memory_space<hbm>>
    tpu.enqueue_indirect_dma source(%dma_start3A_40 : memref<300x128xf32, #tpu.memory_space<hbm>>) target(%arg7 : memref<256x128xf32, #tpu.memory_space<vmem>>) offsets(%arg5 : memref<256xi32, #tpu.memory_space<vmem>>) semaphore(%arg8 : memref<!tpu.dma_semaphore, #tpu.memory_space<semaphore_mem>>)
    %dma_wait3A_41 = arith.constant 0 : i32
    %dma_wait3A_42 = arith.constant 0 : i32
    %dma_wait3A_43 = tpu.memref_slice %arg2[%dma_wait3A_41, %dma_wait3A_42] : memref<300x128xf32, #tpu.memory_space<hbm>> -> memref<300x128xf32, #tpu.memory_space<hbm>>
    tpu.wait_indirect_dma semaphore(%arg8 : memref<!tpu.dma_semaphore, #tpu.memory_space<semaphore_mem>>) src(%dma_wait3A_43 : memref<300x128xf32, #tpu.memory_space<hbm>>) dst(%arg7 : memref<256x128xf32, #tpu.memory_space<vmem>>)
    %add3A_44 = arith.constant 16384 : i32
    %add3A_45 = arith.addi %add3A_44, %add3A_37 : i32
    "tpu.region"() ({
      %run_scoped3A = tpu.sem_alloc : memref<!tpu.dma_semaphore, #tpu.memory_space<semaphore_mem>>
      %dma_start3A_72 = tpu.memref_slice %arg3[%add3A_45] : memref<49152xi32, #tpu.memory_space<hbm>> -> memref<256xi32, #tpu.memory_space<hbm>>
      %dma_start3A_73 = tpu.memref_slice %arg3[%add3A_45] : memref<49152xi32, #tpu.memory_space<hbm>> -> memref<256xi32, #tpu.memory_space<hbm>>
      tpu.enqueue_dma source(%dma_start3A_73 : memref<256xi32, #tpu.memory_space<hbm>>) target(%arg5 : memref<256xi32, #tpu.memory_space<vmem>>) target_semaphore(%run_scoped3A : memref<!tpu.dma_semaphore, #tpu.memory_space<semaphore_mem>>)
      %dma_wait3A_74 = tpu.memref_slice %arg3[%add3A_45] : memref<49152xi32, #tpu.memory_space<hbm>> -> memref<256xi32, #tpu.memory_space<hbm>>
      %dma_wait3A_75 = tpu.memref_slice %arg3[%add3A_45] : memref<49152xi32, #tpu.memory_space<hbm>> -> memref<256xi32, #tpu.memory_space<hbm>>
      tpu.wait_dma2 semaphore(%run_scoped3A : memref<!tpu.dma_semaphore, #tpu.memory_space<semaphore_mem>>) src(%dma_wait3A_75 : memref<256xi32, #tpu.memory_space<hbm>>) dst(%arg5 : memref<256xi32, #tpu.memory_space<vmem>>)
      tpu.yield
    }) : () -> ()
    %dma_start3A_46 = arith.constant 0 : i32
    %dma_start3A_47 = arith.constant 0 : i32
    %dma_start3A_48 = tpu.memref_slice %arg2[%dma_start3A_46, %dma_start3A_47] : memref<300x128xf32, #tpu.memory_space<hbm>> -> memref<300x128xf32, #tpu.memory_space<hbm>>
    tpu.enqueue_indirect_dma source(%dma_start3A_48 : memref<300x128xf32, #tpu.memory_space<hbm>>) target(%arg6 : memref<256x128xf32, #tpu.memory_space<vmem>>) offsets(%arg5 : memref<256xi32, #tpu.memory_space<vmem>>) semaphore(%arg8 : memref<!tpu.dma_semaphore, #tpu.memory_space<semaphore_mem>>)
    %dma_wait3A_49 = arith.constant 0 : i32
    %dma_wait3A_50 = arith.constant 0 : i32
    %dma_wait3A_51 = tpu.memref_slice %arg2[%dma_wait3A_49, %dma_wait3A_50] : memref<300x128xf32, #tpu.memory_space<hbm>> -> memref<300x128xf32, #tpu.memory_space<hbm>>
    tpu.wait_indirect_dma semaphore(%arg8 : memref<!tpu.dma_semaphore, #tpu.memory_space<semaphore_mem>>) src(%dma_wait3A_51 : memref<300x128xf32, #tpu.memory_space<hbm>>) dst(%arg6 : memref<256x128xf32, #tpu.memory_space<vmem>>)
    %scan3A_52 = arith.constant 0 : i32
    %scan3A_53 = arith.constant 0 : i32
    %scan3A_54 = arith.constant 256 : i32
    %scan3A_55 = arith.addi %scan3A_53, %scan3A_54 : i32
    %scan3A_56 = arith.constant 1 : i32
    scf.for %scan3A_72 = %scan3A_53 to %scan3A_55 step %scan3A_56  : i32 {
      %get3A = arith.index_cast %scan3A_72 : i32 to index
      %get3A_73 = arith.constant 0 : index
      %get3A_74 = tpu.vector_load %arg7[%get3A, %get3A_73] {strides = array<i32>} : memref<256x128xf32, #tpu.memory_space<vmem>>, vector<1x16xf32>,
      %get3A_75 = vector.shape_cast %get3A_74 : vector<1x16xf32> to vector<16xf32>
      %get3A_76 = arith.index_cast %scan3A_72 : i32 to index
      %get3A_77 = arith.constant 0 : index
      %get3A_78 = tpu.vector_load %arg6[%get3A_76, %get3A_77] {strides = array<i32>} : memref<256x128xf32, #tpu.memory_space<vmem>>, vector<1x16xf32>,
      %get3A_79 = vector.shape_cast %get3A_78 : vector<1x16xf32> to vector<16xf32>
      %add3A_80 = arith.addf %get3A_75, %get3A_79 : vector<16xf32>
      %swap3A = arith.index_cast %scan3A_72 : i32 to index
      %swap3A_81 = arith.constant 0 : index
      %swap3A_82 = tpu.vector_load %arg7[%swap3A, %swap3A_81] {strides = array<i32>} : memref<256x128xf32, #tpu.memory_space<vmem>>, vector<1x16xf32>,
      %swap3A_83 = vector.shape_cast %swap3A_82 : vector<1x16xf32> to vector<16xf32>
      %swap3A_84 = vector.shape_cast %add3A_80 : vector<16xf32> to vector<1x16xf32>
      tpu.vector_store %arg7[%swap3A, %swap3A_81], %swap3A_84 {strides = array<i32>} : memref<256x128xf32, #tpu.memory_space<vmem>>, vector<1x16xf32>,
      %get3A_85 = arith.index_cast %scan3A_72 : i32 to index
      %get3A_86 = arith.constant 16 : index
      %get3A_87 = tpu.vector_load %arg7[%get3A_85, %get3A_86] {strides = array<i32>} : memref<256x128xf32, #tpu.memory_space<vmem>>, vector<1x16xf32>,
      %get3A_88 = vector.shape_cast %get3A_87 : vector<1x16xf32> to vector<16xf32>
      %get3A_89 = arith.index_cast %scan3A_72 : i32 to index
      %get3A_90 = arith.constant 16 : index
      %get3A_91 = tpu.vector_load %arg6[%get3A_89, %get3A_90] {strides = array<i32>} : memref<256x128xf32, #tpu.memory_space<vmem>>, vector<1x16xf32>,
      %get3A_92 = vector.shape_cast %get3A_91 : vector<1x16xf32> to vector<16xf32>
      %add3A_93 = arith.addf %get3A_88, %get3A_92 : vector<16xf32>
      %swap3A_94 = arith.index_cast %scan3A_72 : i32 to index
      %swap3A_95 = arith.constant 16 : index
      %swap3A_96 = tpu.vector_load %arg7[%swap3A_94, %swap3A_95] {strides = array<i32>} : memref<256x128xf32, #tpu.memory_space<vmem>>, vector<1x16xf32>,
      %swap3A_97 = vector.shape_cast %swap3A_96 : vector<1x16xf32> to vector<16xf32>
      %swap3A_98 = vector.shape_cast %add3A_93 : vector<16xf32> to vector<1x16xf32>
      tpu.vector_store %arg7[%swap3A_94, %swap3A_95], %swap3A_98 {strides = array<i32>} : memref<256x128xf32, #tpu.memory_space<vmem>>, vector<1x16xf32>,
      %get3A_99 = arith.index_cast %scan3A_72 : i32 to index
      %get3A_100 = arith.constant 32 : index
      %get3A_101 = tpu.vector_load %arg7[%get3A_99, %get3A_100] {strides = array<i32>} : memref<256x128xf32, #tpu.memory_space<vmem>>, vector<1x16xf32>,
      %get3A_102 = vector.shape_cast %get3A_101 : vector<1x16xf32> to vector<16xf32>
      %get3A_103 = arith.index_cast %scan3A_72 : i32 to index
      %get3A_104 = arith.constant 32 : index
      %get3A_105 = tpu.vector_load %arg6[%get3A_103, %get3A_104] {strides = array<i32>} : memref<256x128xf32, #tpu.memory_space<vmem>>, vector<1x16xf32>,
      %get3A_106 = vector.shape_cast %get3A_105 : vector<1x16xf32> to vector<16xf32>
      %add3A_107 = arith.addf %get3A_102, %get3A_106 : vector<16xf32>
      %swap3A_108 = arith.index_cast %scan3A_72 : i32 to index
      %swap3A_109 = arith.constant 32 : index
      %swap3A_110 = tpu.vector_load %arg7[%swap3A_108, %swap3A_109] {strides = array<i32>} : memref<256x128xf32, #tpu.memory_space<vmem>>, vector<1x16xf32>,
      %swap3A_111 = vector.shape_cast %swap3A_110 : vector<1x16xf32> to vector<16xf32>
      %swap3A_112 = vector.shape_cast %add3A_107 : vector<16xf32> to vector<1x16xf32>
      tpu.vector_store %arg7[%swap3A_108, %swap3A_109], %swap3A_112 {strides = array<i32>} : memref<256x128xf32, #tpu.memory_space<vmem>>, vector<1x16xf32>,
      %get3A_113 = arith.index_cast %scan3A_72 : i32 to index
      %get3A_114 = arith.constant 48 : index
      %get3A_115 = tpu.vector_load %arg7[%get3A_113, %get3A_114] {strides = array<i32>} : memref<256x128xf32, #tpu.memory_space<vmem>>, vector<1x16xf32>,
      %get3A_116 = vector.shape_cast %get3A_115 : vector<1x16xf32> to vector<16xf32>
      %get3A_117 = arith.index_cast %scan3A_72 : i32 to index
      %get3A_118 = arith.constant 48 : index
      %get3A_119 = tpu.vector_load %arg6[%get3A_117, %get3A_118] {strides = array<i32>} : memref<256x128xf32, #tpu.memory_space<vmem>>, vector<1x16xf32>,
      %get3A_120 = vector.shape_cast %get3A_119 : vector<1x16xf32> to vector<16xf32>
      %add3A_121 = arith.addf %get3A_116, %get3A_120 : vector<16xf32>
      %swap3A_122 = arith.index_cast %scan3A_72 : i32 to index
      %swap3A_123 = arith.constant 48 : index
      %swap3A_124 = tpu.vector_load %arg7[%swap3A_122, %swap3A_123] {strides = array<i32>} : memref<256x128xf32, #tpu.memory_space<vmem>>, vector<1x16xf32>,
      %swap3A_125 = vector.shape_cast %swap3A_124 : vector<1x16xf32> to vector<16xf32>
      %swap3A_126 = vector.shape_cast %add3A_121 : vector<16xf32> to vector<1x16xf32>
      tpu.vector_store %arg7[%swap3A_122, %swap3A_123], %swap3A_126 {strides = array<i32>} : memref<256x128xf32, #tpu.memory_space<vmem>>, vector<1x16xf32>,
      %get3A_127 = arith.index_cast %scan3A_72 : i32 to index
      %get3A_128 = arith.constant 64 : index
      %get3A_129 = tpu.vector_load %arg7[%get3A_127, %get3A_128] {strides = array<i32>} : memref<256x128xf32, #tpu.memory_space<vmem>>, vector<1x16xf32>,
      %get3A_130 = vector.shape_cast %get3A_129 : vector<1x16xf32> to vector<16xf32>
      %get3A_131 = arith.index_cast %scan3A_72 : i32 to index
      %get3A_132 = arith.constant 64 : index
      %get3A_133 = tpu.vector_load %arg6[%get3A_131, %get3A_132] {strides = array<i32>} : memref<256x128xf32, #tpu.memory_space<vmem>>, vector<1x16xf32>,
      %get3A_134 = vector.shape_cast %get3A_133 : vector<1x16xf32> to vector<16xf32>
      %add3A_135 = arith.addf %get3A_130, %get3A_134 : vector<16xf32>
      %swap3A_136 = arith.index_cast %scan3A_72 : i32 to index
      %swap3A_137 = arith.constant 64 : index
      %swap3A_138 = tpu.vector_load %arg7[%swap3A_136, %swap3A_137] {strides = array<i32>} : memref<256x128xf32, #tpu.memory_space<vmem>>, vector<1x16xf32>,
      %swap3A_139 = vector.shape_cast %swap3A_138 : vector<1x16xf32> to vector<16xf32>
      %swap3A_140 = vector.shape_cast %add3A_135 : vector<16xf32> to vector<1x16xf32>
      tpu.vector_store %arg7[%swap3A_136, %swap3A_137], %swap3A_140 {strides = array<i32>} : memref<256x128xf32, #tpu.memory_space<vmem>>, vector<1x16xf32>,
      %get3A_141 = arith.index_cast %scan3A_72 : i32 to index
      %get3A_142 = arith.constant 80 : index
      %get3A_143 = tpu.vector_load %arg7[%get3A_141, %get3A_142] {strides = array<i32>} : memref<256x128xf32, #tpu.memory_space<vmem>>, vector<1x16xf32>,
      %get3A_144 = vector.shape_cast %get3A_143 : vector<1x16xf32> to vector<16xf32>
      %get3A_145 = arith.index_cast %scan3A_72 : i32 to index
      %get3A_146 = arith.constant 80 : index
      %get3A_147 = tpu.vector_load %arg6[%get3A_145, %get3A_146] {strides = array<i32>} : memref<256x128xf32, #tpu.memory_space<vmem>>, vector<1x16xf32>,
      %get3A_148 = vector.shape_cast %get3A_147 : vector<1x16xf32> to vector<16xf32>
      %add3A_149 = arith.addf %get3A_144, %get3A_148 : vector<16xf32>
      %swap3A_150 = arith.index_cast %scan3A_72 : i32 to index
      %swap3A_151 = arith.constant 80 : index
      %swap3A_152 = tpu.vector_load %arg7[%swap3A_150, %swap3A_151] {strides = array<i32>} : memref<256x128xf32, #tpu.memory_space<vmem>>, vector<1x16xf32>,
      %swap3A_153 = vector.shape_cast %swap3A_152 : vector<1x16xf32> to vector<16xf32>
      %swap3A_154 = vector.shape_cast %add3A_149 : vector<16xf32> to vector<1x16xf32>
      tpu.vector_store %arg7[%swap3A_150, %swap3A_151], %swap3A_154 {strides = array<i32>} : memref<256x128xf32, #tpu.memory_space<vmem>>, vector<1x16xf32>,
      %get3A_155 = arith.index_cast %scan3A_72 : i32 to index
      %get3A_156 = arith.constant 96 : index
      %get3A_157 = tpu.vector_load %arg7[%get3A_155, %get3A_156] {strides = array<i32>} : memref<256x128xf32, #tpu.memory_space<vmem>>, vector<1x16xf32>,
      %get3A_158 = vector.shape_cast %get3A_157 : vector<1x16xf32> to vector<16xf32>
      %get3A_159 = arith.index_cast %scan3A_72 : i32 to index
      %get3A_160 = arith.constant 96 : index
      %get3A_161 = tpu.vector_load %arg6[%get3A_159, %get3A_160] {strides = array<i32>} : memref<256x128xf32, #tpu.memory_space<vmem>>, vector<1x16xf32>,
      %get3A_162 = vector.shape_cast %get3A_161 : vector<1x16xf32> to vector<16xf32>
      %add3A_163 = arith.addf %get3A_158, %get3A_162 : vector<16xf32>
      %swap3A_164 = arith.index_cast %scan3A_72 : i32 to index
      %swap3A_165 = arith.constant 96 : index
      %swap3A_166 = tpu.vector_load %arg7[%swap3A_164, %swap3A_165] {strides = array<i32>} : memref<256x128xf32, #tpu.memory_space<vmem>>, vector<1x16xf32>,
      %swap3A_167 = vector.shape_cast %swap3A_166 : vector<1x16xf32> to vector<16xf32>
      %swap3A_168 = vector.shape_cast %add3A_163 : vector<16xf32> to vector<1x16xf32>
      tpu.vector_store %arg7[%swap3A_164, %swap3A_165], %swap3A_168 {strides = array<i32>} : memref<256x128xf32, #tpu.memory_space<vmem>>, vector<1x16xf32>,
      %get3A_169 = arith.index_cast %scan3A_72 : i32 to index
      %get3A_170 = arith.constant 112 : index
      %get3A_171 = tpu.vector_load %arg7[%get3A_169, %get3A_170] {strides = array<i32>} : memref<256x128xf32, #tpu.memory_space<vmem>>, vector<1x16xf32>,
      %get3A_172 = vector.shape_cast %get3A_171 : vector<1x16xf32> to vector<16xf32>
      %get3A_173 = arith.index_cast %scan3A_72 : i32 to index
      %get3A_174 = arith.constant 112 : index
      %get3A_175 = tpu.vector_load %arg6[%get3A_173, %get3A_174] {strides = array<i32>} : memref<256x128xf32, #tpu.memory_space<vmem>>, vector<1x16xf32>,
      %get3A_176 = vector.shape_cast %get3A_175 : vector<1x16xf32> to vector<16xf32>
      %add3A_177 = arith.addf %get3A_172, %get3A_176 : vector<16xf32>
      %swap3A_178 = arith.index_cast %scan3A_72 : i32 to index
      %swap3A_179 = arith.constant 112 : index
      %swap3A_180 = tpu.vector_load %arg7[%swap3A_178, %swap3A_179] {strides = array<i32>} : memref<256x128xf32, #tpu.memory_space<vmem>>, vector<1x16xf32>,
      %swap3A_181 = vector.shape_cast %swap3A_180 : vector<1x16xf32> to vector<16xf32>
      %swap3A_182 = vector.shape_cast %add3A_177 : vector<16xf32> to vector<1x16xf32>
      tpu.vector_store %arg7[%swap3A_178, %swap3A_179], %swap3A_182 {strides = array<i32>} : memref<256x128xf32, #tpu.memory_space<vmem>>, vector<1x16xf32>,
    }
    %scan3A_57 = arith.constant 256 : i32
    %add3A_58 = arith.constant 32768 : i32
    %add3A_59 = arith.addi %add3A_58, %add3A_37 : i32
    "tpu.region"() ({
      %run_scoped3A = tpu.sem_alloc : memref<!tpu.dma_semaphore, #tpu.memory_space<semaphore_mem>>
      %dma_start3A_72 = tpu.memref_slice %arg3[%add3A_59] : memref<49152xi32, #tpu.memory_space<hbm>> -> memref<256xi32, #tpu.memory_space<hbm>>
      %dma_start3A_73 = tpu.memref_slice %arg3[%add3A_59] : memref<49152xi32, #tpu.memory_space<hbm>> -> memref<256xi32, #tpu.memory_space<hbm>>
      tpu.enqueue_dma source(%dma_start3A_73 : memref<256xi32, #tpu.memory_space<hbm>>) target(%arg5 : memref<256xi32, #tpu.memory_space<vmem>>) target_semaphore(%run_scoped3A : memref<!tpu.dma_semaphore, #tpu.memory_space<semaphore_mem>>)
      %dma_wait3A_74 = tpu.memref_slice %arg3[%add3A_59] : memref<49152xi32, #tpu.memory_space<hbm>> -> memref<256xi32, #tpu.memory_space<hbm>>
      %dma_wait3A_75 = tpu.memref_slice %arg3[%add3A_59] : memref<49152xi32, #tpu.memory_space<hbm>> -> memref<256xi32, #tpu.memory_space<hbm>>
      tpu.wait_dma2 semaphore(%run_scoped3A : memref<!tpu.dma_semaphore, #tpu.memory_space<semaphore_mem>>) src(%dma_wait3A_75 : memref<256xi32, #tpu.memory_space<hbm>>) dst(%arg5 : memref<256xi32, #tpu.memory_space<vmem>>)
      tpu.yield
    }) : () -> ()
    %dma_start3A_60 = arith.constant 0 : i32
    %dma_start3A_61 = arith.constant 0 : i32
    %dma_start3A_62 = tpu.memref_slice %arg2[%dma_start3A_60, %dma_start3A_61] : memref<300x128xf32, #tpu.memory_space<hbm>> -> memref<300x128xf32, #tpu.memory_space<hbm>>
    tpu.enqueue_indirect_dma source(%dma_start3A_62 : memref<300x128xf32, #tpu.memory_space<hbm>>) target(%arg6 : memref<256x128xf32, #tpu.memory_space<vmem>>) offsets(%arg5 : memref<256xi32, #tpu.memory_space<vmem>>) semaphore(%arg8 : memref<!tpu.dma_semaphore, #tpu.memory_space<semaphore_mem>>)
    %dma_wait3A_63 = arith.constant 0 : i32
    %dma_wait3A_64 = arith.constant 0 : i32
    %dma_wait3A_65 = tpu.memref_slice %arg2[%dma_wait3A_63, %dma_wait3A_64] : memref<300x128xf32, #tpu.memory_space<hbm>> -> memref<300x128xf32, #tpu.memory_space<hbm>>
    tpu.wait_indirect_dma semaphore(%arg8 : memref<!tpu.dma_semaphore, #tpu.memory_space<semaphore_mem>>) src(%dma_wait3A_65 : memref<300x128xf32, #tpu.memory_space<hbm>>) dst(%arg6 : memref<256x128xf32, #tpu.memory_space<vmem>>)
    %scan3A_66 = arith.constant 0 : i32
    %scan3A_67 = arith.constant 0 : i32
    %scan3A_68 = arith.constant 256 : i32
    %scan3A_69 = arith.addi %scan3A_67, %scan3A_68 : i32
    %scan3A_70 = arith.constant 1 : i32
    scf.for %scan3A_72 = %scan3A_67 to %scan3A_69 step %scan3A_70  : i32 {
      %get3A = arith.index_cast %scan3A_72 : i32 to index
      %get3A_73 = arith.constant 0 : index
      %get3A_74 = tpu.vector_load %arg7[%get3A, %get3A_73] {strides = array<i32>} : memref<256x128xf32, #tpu.memory_space<vmem>>, vector<1x16xf32>,
      %get3A_75 = vector.shape_cast %get3A_74 : vector<1x16xf32> to vector<16xf32>
      %get3A_76 = arith.index_cast %scan3A_72 : i32 to index
      %get3A_77 = arith.constant 0 : index
      %get3A_78 = tpu.vector_load %arg6[%get3A_76, %get3A_77] {strides = array<i32>} : memref<256x128xf32, #tpu.memory_space<vmem>>, vector<1x16xf32>,
      %get3A_79 = vector.shape_cast %get3A_78 : vector<1x16xf32> to vector<16xf32>
      %add3A_80 = arith.addf %get3A_75, %get3A_79 : vector<16xf32>
      %swap3A = arith.index_cast %scan3A_72 : i32 to index
      %swap3A_81 = arith.constant 0 : index
      %swap3A_82 = tpu.vector_load %arg7[%swap3A, %swap3A_81] {strides = array<i32>} : memref<256x128xf32, #tpu.memory_space<vmem>>, vector<1x16xf32>,
      %swap3A_83 = vector.shape_cast %swap3A_82 : vector<1x16xf32> to vector<16xf32>
      %swap3A_84 = vector.shape_cast %add3A_80 : vector<16xf32> to vector<1x16xf32>
      tpu.vector_store %arg7[%swap3A, %swap3A_81], %swap3A_84 {strides = array<i32>} : memref<256x128xf32, #tpu.memory_space<vmem>>, vector<1x16xf32>,
      %get3A_85 = arith.index_cast %scan3A_72 : i32 to index
      %get3A_86 = arith.constant 16 : index
      %get3A_87 = tpu.vector_load %arg7[%get3A_85, %get3A_86] {strides = array<i32>} : memref<256x128xf32, #tpu.memory_space<vmem>>, vector<1x16xf32>,
      %get3A_88 = vector.shape_cast %get3A_87 : vector<1x16xf32> to vector<16xf32>
      %get3A_89 = arith.index_cast %scan3A_72 : i32 to index
      %get3A_90 = arith.constant 16 : index
      %get3A_91 = tpu.vector_load %arg6[%get3A_89, %get3A_90] {strides = array<i32>} : memref<256x128xf32, #tpu.memory_space<vmem>>, vector<1x16xf32>,
      %get3A_92 = vector.shape_cast %get3A_91 : vector<1x16xf32> to vector<16xf32>
      %add3A_93 = arith.addf %get3A_88, %get3A_92 : vector<16xf32>
      %swap3A_94 = arith.index_cast %scan3A_72 : i32 to index
      %swap3A_95 = arith.constant 16 : index
      %swap3A_96 = tpu.vector_load %arg7[%swap3A_94, %swap3A_95] {strides = array<i32>} : memref<256x128xf32, #tpu.memory_space<vmem>>, vector<1x16xf32>,
      %swap3A_97 = vector.shape_cast %swap3A_96 : vector<1x16xf32> to vector<16xf32>
      %swap3A_98 = vector.shape_cast %add3A_93 : vector<16xf32> to vector<1x16xf32>
      tpu.vector_store %arg7[%swap3A_94, %swap3A_95], %swap3A_98 {strides = array<i32>} : memref<256x128xf32, #tpu.memory_space<vmem>>, vector<1x16xf32>,
      %get3A_99 = arith.index_cast %scan3A_72 : i32 to index
      %get3A_100 = arith.constant 32 : index
      %get3A_101 = tpu.vector_load %arg7[%get3A_99, %get3A_100] {strides = array<i32>} : memref<256x128xf32, #tpu.memory_space<vmem>>, vector<1x16xf32>,
      %get3A_102 = vector.shape_cast %get3A_101 : vector<1x16xf32> to vector<16xf32>
      %get3A_103 = arith.index_cast %scan3A_72 : i32 to index
      %get3A_104 = arith.constant 32 : index
      %get3A_105 = tpu.vector_load %arg6[%get3A_103, %get3A_104] {strides = array<i32>} : memref<256x128xf32, #tpu.memory_space<vmem>>, vector<1x16xf32>,
      %get3A_106 = vector.shape_cast %get3A_105 : vector<1x16xf32> to vector<16xf32>
      %add3A_107 = arith.addf %get3A_102, %get3A_106 : vector<16xf32>
      %swap3A_108 = arith.index_cast %scan3A_72 : i32 to index
      %swap3A_109 = arith.constant 32 : index
      %swap3A_110 = tpu.vector_load %arg7[%swap3A_108, %swap3A_109] {strides = array<i32>} : memref<256x128xf32, #tpu.memory_space<vmem>>, vector<1x16xf32>,
      %swap3A_111 = vector.shape_cast %swap3A_110 : vector<1x16xf32> to vector<16xf32>
      %swap3A_112 = vector.shape_cast %add3A_107 : vector<16xf32> to vector<1x16xf32>
      tpu.vector_store %arg7[%swap3A_108, %swap3A_109], %swap3A_112 {strides = array<i32>} : memref<256x128xf32, #tpu.memory_space<vmem>>, vector<1x16xf32>,
      %get3A_113 = arith.index_cast %scan3A_72 : i32 to index
      %get3A_114 = arith.constant 48 : index
      %get3A_115 = tpu.vector_load %arg7[%get3A_113, %get3A_114] {strides = array<i32>} : memref<256x128xf32, #tpu.memory_space<vmem>>, vector<1x16xf32>,
      %get3A_116 = vector.shape_cast %get3A_115 : vector<1x16xf32> to vector<16xf32>
      %get3A_117 = arith.index_cast %scan3A_72 : i32 to index
      %get3A_118 = arith.constant 48 : index
      %get3A_119 = tpu.vector_load %arg6[%get3A_117, %get3A_118] {strides = array<i32>} : memref<256x128xf32, #tpu.memory_space<vmem>>, vector<1x16xf32>,
      %get3A_120 = vector.shape_cast %get3A_119 : vector<1x16xf32> to vector<16xf32>
      %add3A_121 = arith.addf %get3A_116, %get3A_120 : vector<16xf32>
      %swap3A_122 = arith.index_cast %scan3A_72 : i32 to index
      %swap3A_123 = arith.constant 48 : index
      %swap3A_124 = tpu.vector_load %arg7[%swap3A_122, %swap3A_123] {strides = array<i32>} : memref<256x128xf32, #tpu.memory_space<vmem>>, vector<1x16xf32>,
      %swap3A_125 = vector.shape_cast %swap3A_124 : vector<1x16xf32> to vector<16xf32>
      %swap3A_126 = vector.shape_cast %add3A_121 : vector<16xf32> to vector<1x16xf32>
      tpu.vector_store %arg7[%swap3A_122, %swap3A_123], %swap3A_126 {strides = array<i32>} : memref<256x128xf32, #tpu.memory_space<vmem>>, vector<1x16xf32>,
      %get3A_127 = arith.index_cast %scan3A_72 : i32 to index
      %get3A_128 = arith.constant 64 : index
      %get3A_129 = tpu.vector_load %arg7[%get3A_127, %get3A_128] {strides = array<i32>} : memref<256x128xf32, #tpu.memory_space<vmem>>, vector<1x16xf32>,
      %get3A_130 = vector.shape_cast %get3A_129 : vector<1x16xf32> to vector<16xf32>
      %get3A_131 = arith.index_cast %scan3A_72 : i32 to index
      %get3A_132 = arith.constant 64 : index
      %get3A_133 = tpu.vector_load %arg6[%get3A_131, %get3A_132] {strides = array<i32>} : memref<256x128xf32, #tpu.memory_space<vmem>>, vector<1x16xf32>,
      %get3A_134 = vector.shape_cast %get3A_133 : vector<1x16xf32> to vector<16xf32>
      %add3A_135 = arith.addf %get3A_130, %get3A_134 : vector<16xf32>
      %swap3A_136 = arith.index_cast %scan3A_72 : i32 to index
      %swap3A_137 = arith.constant 64 : index
      %swap3A_138 = tpu.vector_load %arg7[%swap3A_136, %swap3A_137] {strides = array<i32>} : memref<256x128xf32, #tpu.memory_space<vmem>>, vector<1x16xf32>,
      %swap3A_139 = vector.shape_cast %swap3A_138 : vector<1x16xf32> to vector<16xf32>
      %swap3A_140 = vector.shape_cast %add3A_135 : vector<16xf32> to vector<1x16xf32>
      tpu.vector_store %arg7[%swap3A_136, %swap3A_137], %swap3A_140 {strides = array<i32>} : memref<256x128xf32, #tpu.memory_space<vmem>>, vector<1x16xf32>,
      %get3A_141 = arith.index_cast %scan3A_72 : i32 to index
      %get3A_142 = arith.constant 80 : index
      %get3A_143 = tpu.vector_load %arg7[%get3A_141, %get3A_142] {strides = array<i32>} : memref<256x128xf32, #tpu.memory_space<vmem>>, vector<1x16xf32>,
      %get3A_144 = vector.shape_cast %get3A_143 : vector<1x16xf32> to vector<16xf32>
      %get3A_145 = arith.index_cast %scan3A_72 : i32 to index
      %get3A_146 = arith.constant 80 : index
      %get3A_147 = tpu.vector_load %arg6[%get3A_145, %get3A_146] {strides = array<i32>} : memref<256x128xf32, #tpu.memory_space<vmem>>, vector<1x16xf32>,
      %get3A_148 = vector.shape_cast %get3A_147 : vector<1x16xf32> to vector<16xf32>
      %add3A_149 = arith.addf %get3A_144, %get3A_148 : vector<16xf32>
      %swap3A_150 = arith.index_cast %scan3A_72 : i32 to index
      %swap3A_151 = arith.constant 80 : index
      %swap3A_152 = tpu.vector_load %arg7[%swap3A_150, %swap3A_151] {strides = array<i32>} : memref<256x128xf32, #tpu.memory_space<vmem>>, vector<1x16xf32>,
      %swap3A_153 = vector.shape_cast %swap3A_152 : vector<1x16xf32> to vector<16xf32>
      %swap3A_154 = vector.shape_cast %add3A_149 : vector<16xf32> to vector<1x16xf32>
      tpu.vector_store %arg7[%swap3A_150, %swap3A_151], %swap3A_154 {strides = array<i32>} : memref<256x128xf32, #tpu.memory_space<vmem>>, vector<1x16xf32>,
      %get3A_155 = arith.index_cast %scan3A_72 : i32 to index
      %get3A_156 = arith.constant 96 : index
      %get3A_157 = tpu.vector_load %arg7[%get3A_155, %get3A_156] {strides = array<i32>} : memref<256x128xf32, #tpu.memory_space<vmem>>, vector<1x16xf32>,
      %get3A_158 = vector.shape_cast %get3A_157 : vector<1x16xf32> to vector<16xf32>
      %get3A_159 = arith.index_cast %scan3A_72 : i32 to index
      %get3A_160 = arith.constant 96 : index
      %get3A_161 = tpu.vector_load %arg6[%get3A_159, %get3A_160] {strides = array<i32>} : memref<256x128xf32, #tpu.memory_space<vmem>>, vector<1x16xf32>,
      %get3A_162 = vector.shape_cast %get3A_161 : vector<1x16xf32> to vector<16xf32>
      %add3A_163 = arith.addf %get3A_158, %get3A_162 : vector<16xf32>
      %swap3A_164 = arith.index_cast %scan3A_72 : i32 to index
      %swap3A_165 = arith.constant 96 : index
      %swap3A_166 = tpu.vector_load %arg7[%swap3A_164, %swap3A_165] {strides = array<i32>} : memref<256x128xf32, #tpu.memory_space<vmem>>, vector<1x16xf32>,
      %swap3A_167 = vector.shape_cast %swap3A_166 : vector<1x16xf32> to vector<16xf32>
      %swap3A_168 = vector.shape_cast %add3A_163 : vector<16xf32> to vector<1x16xf32>
      tpu.vector_store %arg7[%swap3A_164, %swap3A_165], %swap3A_168 {strides = array<i32>} : memref<256x128xf32, #tpu.memory_space<vmem>>, vector<1x16xf32>,
      %get3A_169 = arith.index_cast %scan3A_72 : i32 to index
      %get3A_170 = arith.constant 112 : index
      %get3A_171 = tpu.vector_load %arg7[%get3A_169, %get3A_170] {strides = array<i32>} : memref<256x128xf32, #tpu.memory_space<vmem>>, vector<1x16xf32>,
      %get3A_172 = vector.shape_cast %get3A_171 : vector<1x16xf32> to vector<16xf32>
      %get3A_173 = arith.index_cast %scan3A_72 : i32 to index
      %get3A_174 = arith.constant 112 : index
      %get3A_175 = tpu.vector_load %arg6[%get3A_173, %get3A_174] {strides = array<i32>} : memref<256x128xf32, #tpu.memory_space<vmem>>, vector<1x16xf32>,
      %get3A_176 = vector.shape_cast %get3A_175 : vector<1x16xf32> to vector<16xf32>
      %add3A_177 = arith.addf %get3A_172, %get3A_176 : vector<16xf32>
      %swap3A_178 = arith.index_cast %scan3A_72 : i32 to index
      %swap3A_179 = arith.constant 112 : index
      %swap3A_180 = tpu.vector_load %arg7[%swap3A_178, %swap3A_179] {strides = array<i32>} : memref<256x128xf32, #tpu.memory_space<vmem>>, vector<1x16xf32>,
      %swap3A_181 = vector.shape_cast %swap3A_180 : vector<1x16xf32> to vector<16xf32>
      %swap3A_182 = vector.shape_cast %add3A_177 : vector<16xf32> to vector<1x16xf32>
      tpu.vector_store %arg7[%swap3A_178, %swap3A_179], %swap3A_182 {strides = array<i32>} : memref<256x128xf32, #tpu.memory_space<vmem>>, vector<1x16xf32>,
    }
    %scan3A_71 = arith.constant 256 : i32
    "tpu.region"() ({
      %run_scoped3A = tpu.sem_alloc : memref<!tpu.dma_semaphore, #tpu.memory_space<semaphore_mem>>
      %dma_start3A_72 = arith.constant 0 : i32
      %dma_start3A_73 = tpu.memref_slice %arg4[%add3A_37, %dma_start3A_72] : memref<16384x128xf32, #tpu.memory_space<hbm>> -> memref<256x128xf32, #tpu.memory_space<hbm>>
      %dma_start3A_74 = arith.constant 0 : i32
      %dma_start3A_75 = tpu.memref_slice %arg4[%add3A_37, %dma_start3A_74] : memref<16384x128xf32, #tpu.memory_space<hbm>> -> memref<256x128xf32, #tpu.memory_space<hbm>>
      tpu.enqueue_dma source(%arg7 : memref<256x128xf32, #tpu.memory_space<vmem>>) target(%dma_start3A_75 : memref<256x128xf32, #tpu.memory_space<hbm>>) target_semaphore(%run_scoped3A : memref<!tpu.dma_semaphore, #tpu.memory_space<semaphore_mem>>)
      %dma_wait3A_76 = arith.constant 0 : i32
      %dma_wait3A_77 = tpu.memref_slice %arg4[%add3A_37, %dma_wait3A_76] : memref<16384x128xf32, #tpu.memory_space<hbm>> -> memref<256x128xf32, #tpu.memory_space<hbm>>
      %dma_wait3A_78 = arith.constant 0 : i32
      %dma_wait3A_79 = tpu.memref_slice %arg4[%add3A_37, %dma_wait3A_78] : memref<16384x128xf32, #tpu.memory_space<hbm>> -> memref<256x128xf32, #tpu.memory_space<hbm>>
      tpu.wait_dma2 semaphore(%run_scoped3A : memref<!tpu.dma_semaphore, #tpu.memory_space<semaphore_mem>>) src(%arg7 : memref<256x128xf32, #tpu.memory_space<vmem>>) dst(%dma_wait3A_79 : memref<256x128xf32, #tpu.memory_space<hbm>>)
      tpu.yield
    }) : () -> ()
    return
  }
}

module attributes {stable_mosaic.version = 14 : i64} {
  func.func @_prep_kernel(%arg0: memref<100x100xf32, #tpu.memory_space<vmem>>, %arg1: memref<100x300xf32, #tpu.memory_space<vmem>>, %arg2: memref<300x128xf32, #tpu.memory_space<vmem>>) attributes {dimension_semantics = [], scalar_prefetch = 0 : i64, scratch_operands = 0 : i64, tpu.core_type = #tpu.core_type<tc>} {
    %get3A = arith.constant 0 : index
    %get3A_0 = arith.constant 0 : index
    %get3A_1 = vector.load %arg0[%get3A, %get3A_0] : memref<100x100xf32, #tpu.memory_space<vmem>>, vector<100x100xf32>
    %broadcast_in_dim3A = arith.constant 0.000000e+00 : f32
    %broadcast_in_dim3A_2 = vector.broadcast %broadcast_in_dim3A : f32 to vector<300x128xf32>
    %swap3A = arith.constant 0 : index
    %swap3A_3 = arith.constant 0 : index
    %swap3A_4 = vector.load %arg2[%swap3A, %swap3A_3] : memref<300x128xf32, #tpu.memory_space<vmem>>, vector<300x128xf32>
    tpu.vector_store %arg2[%swap3A, %swap3A_3], %broadcast_in_dim3A_2 {strides = array<i32>} : memref<300x128xf32, #tpu.memory_space<vmem>>, vector<300x128xf32>,
    %get3A_5 = arith.constant 0 : index
    %get3A_6 = arith.constant 0 : index
    %get3A_7 = vector.load %arg1[%get3A_5, %get3A_6] : memref<100x300xf32, #tpu.memory_space<vmem>>, vector<100x100xf32>
    %dot_general3A = arith.constant dense<0.000000e+00> : vector<100x100xf32>
    %dot_general3A_8 = tpu.matmul %get3A_1, %get3A_7, %dot_general3A {dimension_numbers = #tpu.dot_dimension_numbers<[1], [1], [0], [0], [0, 0, 1, 0], [], []>, transpose_lhs_hint = false} : vector<100x100xf32>, vector<100x100xf32>, vector<100x100xf32> -> vector<100x100xf32>
    %swap3A_9 = arith.constant 0 : index
    %swap3A_10 = arith.constant 0 : index
    %swap3A_11 = vector.load %arg2[%swap3A_9, %swap3A_10] : memref<300x128xf32, #tpu.memory_space<vmem>>, vector<100x100xf32>
    tpu.vector_store %arg2[%swap3A_9, %swap3A_10], %dot_general3A_8 {strides = array<i32>} : memref<300x128xf32, #tpu.memory_space<vmem>>, vector<100x100xf32>,
    %get3A_12 = arith.constant 0 : index
    %get3A_13 = arith.constant 100 : index
    %get3A_14 = vector.load %arg1[%get3A_12, %get3A_13] : memref<100x300xf32, #tpu.memory_space<vmem>>, vector<100x100xf32>
    %dot_general3A_15 = arith.constant dense<0.000000e+00> : vector<100x100xf32>
    %dot_general3A_16 = tpu.matmul %get3A_1, %get3A_14, %dot_general3A_15 {dimension_numbers = #tpu.dot_dimension_numbers<[1], [1], [0], [0], [0, 0, 1, 0], [], []>, transpose_lhs_hint = false} : vector<100x100xf32>, vector<100x100xf32>, vector<100x100xf32> -> vector<100x100xf32>
    %swap3A_17 = arith.constant 100 : index
    %swap3A_18 = arith.constant 0 : index
    %swap3A_19 = vector.load %arg2[%swap3A_17, %swap3A_18] : memref<300x128xf32, #tpu.memory_space<vmem>>, vector<100x100xf32>
    tpu.vector_store %arg2[%swap3A_17, %swap3A_18], %dot_general3A_16 {strides = array<i32>} : memref<300x128xf32, #tpu.memory_space<vmem>>, vector<100x100xf32>,
    %get3A_20 = arith.constant 0 : index
    %get3A_21 = arith.constant 200 : index
    %get3A_22 = vector.load %arg1[%get3A_20, %get3A_21] : memref<100x300xf32, #tpu.memory_space<vmem>>, vector<100x100xf32>
    %dot_general3A_23 = arith.constant dense<0.000000e+00> : vector<100x100xf32>
    %dot_general3A_24 = tpu.matmul %get3A_1, %get3A_22, %dot_general3A_23 {dimension_numbers = #tpu.dot_dimension_numbers<[1], [1], [0], [0], [0, 0, 1, 0], [], []>, transpose_lhs_hint = false} : vector<100x100xf32>, vector<100x100xf32>, vector<100x100xf32> -> vector<100x100xf32>
    %swap3A_25 = arith.constant 200 : index
    %swap3A_26 = arith.constant 0 : index
    %swap3A_27 = vector.load %arg2[%swap3A_25, %swap3A_26] : memref<300x128xf32, #tpu.memory_space<vmem>>, vector<100x100xf32>
    tpu.vector_store %arg2[%swap3A_25, %swap3A_26], %dot_general3A_24 {strides = array<i32>} : memref<300x128xf32, #tpu.memory_space<vmem>>, vector<100x100xf32>,
    return
  }
}

module attributes {stable_mosaic.version = 14 : i64} {
  func.func @_mlp_kernel(%arg0: i32, %arg1: memref<4096x128xf32, #tpu.memory_space<vmem>>, %arg2: memref<1x128xf32, #tpu.memory_space<vmem>>, %arg3: memref<100x128xf32, #tpu.memory_space<vmem>>, %arg4: memref<1x100xf32, #tpu.memory_space<vmem>>, %arg5: memref<1x100xf32, #tpu.memory_space<vmem>>, %arg6: memref<1x1xf32, #tpu.memory_space<vmem>>, %arg7: memref<4096x1xf32, #tpu.memory_space<vmem>>) attributes {dimension_semantics = [#tpu.dimension_semantics<arbitrary>], iteration_bounds = array<i64: 4>, scalar_prefetch = 0 : i64, scratch_operands = 0 : i64, tpu.core_type = #tpu.core_type<tc>, window_params = [{transform_indices = @transform_0, window_bounds = array<i64: 4096, 128>}, {pipeline_mode = #tpu.pipeline_mode<synchronous>, transform_indices = @transform_1, window_bounds = array<i64: 1, 128>}, {pipeline_mode = #tpu.pipeline_mode<synchronous>, transform_indices = @transform_2, window_bounds = array<i64: 100, 128>}, {pipeline_mode = #tpu.pipeline_mode<synchronous>, transform_indices = @transform_3, window_bounds = array<i64: 1, 100>}, {pipeline_mode = #tpu.pipeline_mode<synchronous>, transform_indices = @transform_4, window_bounds = array<i64: 1, 100>}, {pipeline_mode = #tpu.pipeline_mode<synchronous>, transform_indices = @transform_5, window_bounds = array<i64: 1, 1>}, {transform_indices = @transform_6, window_bounds = array<i64: 4096, 1>}]} {
    %get3A = arith.constant 0 : index
    %get3A_0 = arith.constant 0 : index
    %get3A_1 = vector.load %arg1[%get3A, %get3A_0] : memref<4096x128xf32, #tpu.memory_space<vmem>>, vector<4096x128xf32>
    %get3A_2 = arith.constant 0 : index
    %get3A_3 = arith.constant 0 : index
    %get3A_4 = vector.load %arg2[%get3A_2, %get3A_3] : memref<1x128xf32, #tpu.memory_space<vmem>>, vector<1x128xf32>
    %add3A = vector.broadcast %get3A_4 : vector<1x128xf32> to vector<4096x128xf32>
    %add3A_5 = arith.addf %get3A_1, %add3A : vector<4096x128xf32>
    %gt3A = arith.constant 0.000000e+00 : f32
    %gt3A_6 = vector.broadcast %gt3A : f32 to vector<4096x128xf32>
    %gt3A_7 = arith.cmpf ogt, %add3A_5, %gt3A_6 : vector<4096x128xf32>
    %exp3A = math.exp %add3A_5 : vector<4096x128xf32>
    %sub3A = arith.constant 1.000000e+00 : f32
    %sub3A_8 = vector.broadcast %sub3A : f32 to vector<4096x128xf32>
    %sub3A_9 = arith.subf %exp3A, %sub3A_8 : vector<4096x128xf32>
    %mul3A = arith.constant 1.67326319 : f32
    %mul3A_10 = vector.broadcast %mul3A : f32 to vector<4096x128xf32>
    %mul3A_11 = arith.mulf %mul3A_10, %sub3A_9 : vector<4096x128xf32>
    %select_n3A = arith.select %gt3A_7, %add3A_5, %mul3A_11 : vector<4096x128xi1>, vector<4096x128xf32>
    %mul3A_12 = arith.constant 1.05070102 : f32
    %mul3A_13 = vector.broadcast %mul3A_12 : f32 to vector<4096x128xf32>
    %mul3A_14 = arith.mulf %mul3A_13, %select_n3A : vector<4096x128xf32>
    %get3A_15 = arith.constant 0 : index
    %get3A_16 = arith.constant 0 : index
    %get3A_17 = vector.load %arg3[%get3A_15, %get3A_16] : memref<100x128xf32, #tpu.memory_space<vmem>>, vector<100x128xf32>
    %dot_general3A = arith.constant dense<0.000000e+00> : vector<4096x100xf32>
    %dot_general3A_18 = tpu.matmul %mul3A_14, %get3A_17, %dot_general3A {dimension_numbers = #tpu.dot_dimension_numbers<[1], [1], [0], [0], [0, 0, 1, 0], [], []>, transpose_lhs_hint = false} : vector<4096x128xf32>, vector<100x128xf32>, vector<4096x100xf32> -> vector<4096x100xf32>
    %get3A_19 = arith.constant 0 : index
    %get3A_20 = arith.constant 0 : index
    %get3A_21 = vector.load %arg4[%get3A_19, %get3A_20] : memref<1x100xf32, #tpu.memory_space<vmem>>, vector<1x100xf32>
    %add3A_22 = vector.broadcast %get3A_21 : vector<1x100xf32> to vector<4096x100xf32>
    %add3A_23 = arith.addf %dot_general3A_18, %add3A_22 : vector<4096x100xf32>
    %tanh3A = math.tanh %add3A_23 : vector<4096x100xf32>
    %get3A_24 = arith.constant 0 : index
    %get3A_25 = arith.constant 0 : index
    %get3A_26 = vector.load %arg5[%get3A_24, %get3A_25] : memref<1x100xf32, #tpu.memory_space<vmem>>, vector<1x100xf32>
    %mul3A_27 = vector.broadcast %get3A_26 : vector<1x100xf32> to vector<4096x100xf32>
    %mul3A_28 = arith.mulf %tanh3A, %mul3A_27 : vector<4096x100xf32>
    %reduce_sum3A = arith.constant dense<0.000000e+00> : vector<4096xf32>
    %reduce_sum3A_29 = vector.multi_reduction <add>, %mul3A_28, %reduce_sum3A [1] : vector<4096x100xf32> to vector<4096xf32>
    %broadcast_in_dim3A = vector.shape_cast %reduce_sum3A_29 : vector<4096xf32> to vector<4096x1xf32>
    %get3A_30 = arith.constant 0 : index
    %get3A_31 = arith.constant 0 : index
    %get3A_32 = vector.load %arg6[%get3A_30, %get3A_31] : memref<1x1xf32, #tpu.memory_space<vmem>>, vector<1x1xf32>
    %get3A_33 = vector.extract %get3A_32[0, 0] : f32 from vector<1x1xf32>
    %add3A_34 = vector.broadcast %get3A_33 : f32 to vector<4096x1xf32>
    %add3A_35 = arith.addf %broadcast_in_dim3A, %add3A_34 : vector<4096x1xf32>
    %swap3A = arith.constant 0 : index
    %swap3A_36 = arith.constant 0 : index
    %swap3A_37 = vector.load %arg7[%swap3A, %swap3A_36] : memref<4096x1xf32, #tpu.memory_space<vmem>>, vector<4096x1xf32>
    tpu.vector_store %arg7[%swap3A, %swap3A_36], %add3A_35 {strides = array<i32>} : memref<4096x1xf32, #tpu.memory_space<vmem>>, vector<4096x1xf32>,
    return
  }
  func.func @transform_0(%arg0: i32) -> (i32, i32) {
    %c0_i32 = arith.constant 0 : i32
    %c0_i32_0 = arith.constant 0 : i32
    return %arg0, %c0_i32 : i32, i32
  }
  func.func @transform_1(%arg0: i32) -> (i32, i32) {
    %c0_i32 = arith.constant 0 : i32
    %c0_i32_0 = arith.constant 0 : i32
    %c0_i32_1 = arith.constant 0 : i32
    return %c0_i32, %c0_i32_0 : i32, i32
  }
  func.func @transform_2(%arg0: i32) -> (i32, i32) {
    %c0_i32 = arith.constant 0 : i32
    %c0_i32_0 = arith.constant 0 : i32
    %c0_i32_1 = arith.constant 0 : i32
    return %c0_i32, %c0_i32_0 : i32, i32
  }
  func.func @transform_3(%arg0: i32) -> (i32, i32) {
    %c0_i32 = arith.constant 0 : i32
    %c0_i32_0 = arith.constant 0 : i32
    %c0_i32_1 = arith.constant 0 : i32
    return %c0_i32, %c0_i32_0 : i32, i32
  }
  func.func @transform_4(%arg0: i32) -> (i32, i32) {
    %c0_i32 = arith.constant 0 : i32
    %c0_i32_0 = arith.constant 0 : i32
    %c0_i32_1 = arith.constant 0 : i32
    return %c0_i32, %c0_i32_0 : i32, i32
  }
  func.func @transform_5(%arg0: i32) -> (i32, i32) {
    %c0_i32 = arith.constant 0 : i32
    %c0_i32_0 = arith.constant 0 : i32
    %c0_i32_1 = arith.constant 0 : i32
    return %c0_i32, %c0_i32_0 : i32, i32
  }
  func.func @transform_6(%arg0: i32) -> (i32, i32) {
    %c0_i32 = arith.constant 0 : i32
    %c0_i32_0 = arith.constant 0 : i32
    return %arg0, %c0_i32 : i32, i32
  }
}

</mosaic_0001>

<sc_bundles>
// kernel: kernel.5.cloned.1.call-start
scs
__scs_entry_jumppad:
0x0: {  	(pc) =	sbr.rel $0x88, $3  }
0x1: {  	(tag) =	ssettag $0x0;
	lr =	simm.s32 $0x1  }
0x2: {  	[smem:$0x3F99] =	sst lr;
	_ =	strace $0xD0000000  }
0x3: {  	_ = 	snop  }
0x4: {  	_ = 	snop  }
0x5: {  	_ = 	snop  }
0x6: {  	_ = 	snop  }
0x7: {  	_ = 	snop  }
__scs_overlays_trampoline_lowered:
0x8: {  	[smem:$0x3FA8] =	sst s0  }
0x9: {  	[smem:$0x3FA9] =	sst s1  }
0xa: {  	[smem:$0x3FAA] =	sst s2  }
0xb: {  	[smem:$0x3FAB] =	sst s3  }
0xc: {  	[smem:$0x3FAC] =	sst s4  }
0xd: {  	[smem:$0x3FAD] =	sst s5  }
0xe: {  	[smem:$0x3FAE] =	sst s6  }
0xf: {  	[smem:$0x3FAF] =	sst s7  }
0x10: {  	[smem:$0x3FB0] =	sst s8  }
0x11: {  	[smem:$0x3FB1] =	sst s9;
	s0 =	simm.s32 @!p0 $0x0  }
0x12: {  	s1 =	sld [smem:$0x3F97];
	s0 =	simm.s32 @p0 $0x1  }
0x13: {  	[smem:$0x3FB2] =	sst s0;
	s0 =	simm.s32 @!p1 $0x0  }
0x14: {  	s2 =	sld [smem:$0x3F96];
	s0 =	simm.s32 @p1 $0x1  }
0x15: {  	[smem:$0x3FB3] =	sst s0;
	s0 =	simm.s32 @!p2 $0x0  }
0x16: {  	s3 =	sld [smem:$0x3FDB];
	s0 =	simm.s32 @p2 $0x1  }
0x17: {  	s4 =	simm.s32 $0x1BF5;
	[smem:$0x3FB5] =	sst s0  }
0x18: {  	s0 =	sld [smem:$0x3F98];
	_ =	swait.ge [sflag:s4], $0x0  }
0x19: {  	s7 =	sld [smem:$0x3F99]  }
0x1a: {  	s8 =	sadd.s32 $0xFFFFE003, lr  }
0x1b: {  	s9 =	sadd.s32 $0xFFFFFEF7, lr;
	s5 =	simm.s32 $0xFFFFFFFF;
	p2 =	slt.u32 s8, $0xFFFFF086  }
0x1c: {  	p1 =	slt.u32 s9, $0xF7A;
	s5 =	simm.s32 @!p2 $0x0  }
0x1d: {  	s5 =	simm.s32 @p1 $0x1;
	p0 =	seq.s32 s7, s2  }
0x1e: {  	s7 =	smul.u32 @!p0 $0xF7A, s2;
	p2 =	seq.s32 @!p0 s5, $0x0  }
0x1f: {  	s9 =	smul.u32 $0xF7A, s1;
	s8 =	simm.s32 @!p0 $0x1BF5;
	p2 =	por !p2, p0  }
0x20: {  	[sflag:s8] =	ssyncset.s32 @!p0 $0xFFFFF086;
	s6 =	sadd.s32 @!p0 s3, s7;
	s7 =	simm.s32 @!p0 $0x108  }
0x21: {  	s3 =	sadd.s32 s3, s9;
	s6 =	sadd.s32 @!p0 $0x88, s6;
	s7 =	simm.s32 @p2 $0x1082  }
0x22: {  	[simem:s7], [sflag:s8] =	dma.local @!p0 [hbm:s6], $0xF7A  }
0x23: {  	s9 =	sor.u32 $0xD0000000, s2;
	s6 =	simm.s32 $0x108;
	_ =	swait.ge @!p0 [sflag:s8], $0x0  }
0x24: {  	s3 =	sadd.s32 $0x88, s3;
	s6 =	simm.s32 @!p1 $0x1082;
	[sflag:s4] =	ssyncset.s32 $0xFFFFF086  }
0x25: {  	[simem:s6], [sflag:s4] =	dma.local [hbm:s3], $0xF7A  }
0x26: {  	[smem:$0x3F99] =	sst s1;
	(tag) =	ssettag s2;
	_ =	strace s9  }
0x27: {  	s1 =	sld [smem:$0x3FA9]  }
0x28: {  	s2 =	sld [smem:$0x3FAA]  }
0x29: {  	s4 =	sld [smem:$0x3FAC]  }
0x2a: {  	p0 =	seq.s32 s5, $0x0;
	s5 =	sld [smem:$0x3FAD]  }
0x2b: {  	s6 =	sld [smem:$0x3FAE]  }
0x2c: {  	s7 =	sld [smem:$0x3FAF]  }
0x2d: {  	s3 =	simm.s32 $0x108;
	s8 =	sld [smem:$0x3FB0]  }
0x2e: {  	s3 =	simm.s32 @!p0 $0x1082;
	s9 =	sld [smem:$0x3FB1]  }
0x2f: {  	lr =	sadd.s32 s0, s3;
	s0 =	sld [smem:$0x3FA8]  }
0x30: {  	s3 =	sld [smem:$0x3FAB]  }
0x31: {  	[smem:$0x3FB4] =	sst s10  }
0x32: {  	s10 =	sld [smem:$0x3FB2];
	_ =	sdelay $0x3  }
0x33: {  	p0 =	seq.s32 s10, $0x1;
	s10 =	sld [smem:$0x3FB4];
	_ =	sdelay $0x3  }
0x34: {  	[smem:$0x3FB4] =	sst s10  }
0x35: {  	s10 =	sld [smem:$0x3FB3];
	_ =	sdelay $0x3  }
0x36: {  	p1 =	seq.s32 s10, $0x1;
	s10 =	sld [smem:$0x3FB4];
	_ =	sdelay $0x3  }
0x37: {  	[smem:$0x3FB4] =	sst s10  }
0x38: {  	s10 =	sld [smem:$0x3FB5]  }
0x39: {  	_ = 	snop;
	(pc) =	sbr.ind lr, $3  }
0x3a: {  	_ = 	snop  }
0x3b: {  	_ = 	snop  }
0x3c: {  	p2 =	seq.s32 s10, $0x1;
	s10 =	sld [smem:$0x3FB4]  }
0x3d: {  	_ =	shalt  }
0x3e: {  	_ =	shalt  }
0x3f: {  	_ =	shalt  }
0x40: {  	_ =	shalt  }
0x41: {  	_ =	shalt  }
0x42: {  	_ =	shalt  }
0x43: {  	_ =	shalt  }
0x44: {  	_ =	shalt  }
0x45: {  	_ =	shalt  }
0x46: {  	_ =	shalt  }
0x47: {  	_ =	shalt  }
0x48: {  	_ =	shalt  }
0x49: {  	_ =	shalt  }
0x4a: {  	_ =	shalt  }
0x4b: {  	_ =	shalt  }
0x4c: {  	_ =	shalt  }
0x4d: {  	_ =	shalt  }
0x4e: {  	_ =	shalt  }
0x4f: {  	_ =	shalt  }
0x50: {  	_ =	shalt  }
0x51: {  	_ =	shalt  }
0x52: {  	_ =	shalt  }
0x53: {  	_ =	shalt  }
0x54: {  	_ =	shalt  }
0x55: {  	_ =	shalt  }
0x56: {  	_ =	shalt  }
0x57: {  	_ =	shalt  }
0x58: {  	_ =	shalt  }
0x59: {  	_ =	shalt  }
0x5a: {  	_ =	shalt  }
0x5b: {  	_ =	shalt  }
0x5c: {  	_ =	shalt  }
0x5d: {  	_ =	shalt  }
0x5e: {  	_ =	shalt  }
0x5f: {  	_ =	shalt  }
0x60: {  	_ =	shalt  }
0x61: {  	_ =	shalt  }
0x62: {  	_ =	shalt  }
0x63: {  	_ =	shalt  }
0x64: {  	_ =	shalt  }
0x65: {  	_ =	shalt  }
0x66: {  	_ =	shalt  }
0x67: {  	_ =	shalt  }
0x68: {  	_ =	shalt  }
0x69: {  	_ =	shalt  }
0x6a: {  	_ =	shalt  }
0x6b: {  	_ =	shalt  }
0x6c: {  	_ =	shalt  }
0x6d: {  	_ =	shalt  }
0x6e: {  	_ =	shalt  }
0x6f: {  	_ =	shalt  }
0x70: {  	_ =	shalt  }
0x71: {  	_ =	shalt  }
0x72: {  	_ =	shalt  }
0x73: {  	_ =	shalt  }
0x74: {  	_ =	shalt  }
0x75: {  	_ =	shalt  }
0x76: {  	_ =	shalt  }
0x77: {  	_ =	shalt  }
0x78: {  	_ =	shalt  }
0x79: {  	_ =	shalt  }
0x7a: {  	_ =	shalt  }
0x7b: {  	_ =	shalt  }
0x7c: {  	_ =	shalt  }
0x7d: {  	_ =	shalt  }
0x7e: {  	_ =	shalt  }
0x7f: {  	_ =	shalt  }
0x80: {  	_ =	shalt  }
0x81: {  	_ =	shalt  }
0x82: {  	_ =	shalt  }
0x83: {  	_ =	shalt  }
0x84: {  	_ =	shalt  }
0x85: {  	_ =	shalt  }
0x86: {  	_ =	shalt  }
0x87: {  	_ =	shalt  }
.Lfunc_end0:
.L_simem_size_0:
called_computation_lowered:
.L_overlay_start_0:
0x88: {  	s2 =	sld [smem:$0x3FD9]  }
0x89: {  	s3 =	sld [smem:$0x3FFE];
	_ =	sdelay $0x1  }
0x8a: {  	s1 =	srdreg.scid  }
0x8b: {  	s0 =	sand.u32 $0x1, s1  }
0x8c: {  	s16 =	sshll.u32 s0, $0xA;
	s2 =	sadd.s32 s3, s2  }
0x8d: {  	s2 =	sadd.s32 s2, s16  }
0x8e: {  	[smem:$0x3FC0] =	sst s2  }
0x8f: {  	_ = 	snop  }
0x90: {  	(tm) =	ssettm $0x1  }
0x91: {  	s17 =	sld [smem:$0x3FFB];
	_ =	sdelay $0x3  }
0x92: {  	_ =	strace s17  }
0x93: {  	s2 =	sld [smem:$0x3FFC];
	_ =	sdelay $0x3  }
0x94: {  	_ =	strace s2  }
0x95: {  	s2 =	sld [smem:$0x3FFD];
	_ =	sdelay $0x3  }
0x96: {  	_ =	strace s2  }
0x97: {  	_ =	strace $0x8FFFFFFF  }
0x98: {  	s18 =	sld [smem:$0x3FDB];
	_ =	sdelay $0x1  }
0x99: {  	s19 =	simm.s32 $_scs_section_size  }
0x9a: {  	s4 =	simm.s32 $_size__tile_overlayer_lowered;
	s5 =	simm.s32 $_tile_overlayer_lowered  }
0x9b: {  	s22 =	simm.s32 $0x1BFF;
	s21 =	sshll.u32 s5, $0x1;
	s2 =	sadd.s32 s19, s18  }
0x9c: {  	s6 =	simm.s32 $0x0;
	s20 =	sshll.u32 s4, $0x1;
	s4 =	sadd.s32 s21, s2  }
0x9d: {  	[timem:s6], [sflag:s22] =	dma.local [hbm:s4], s20  }
0x9e: {  	_ =	swait.ge [sflag:s22], s20  }
0x9f: {  	s3 =	ssub.s32 $0x0, s20;
	[sflag:s22] =	ssyncset.done $0x0  }
0xa0: {  	[sflag:s22] =	ssyncadd.s32 s3;
	_ =	sdelay $0x1  }
0xa1: {  	s23 =	simm.s32 $0x1B8B  }
0xa2: {  	_ =	swait.ge [sflag:s23], $0x1  }
0xa3: {  	[sflag:s23] =	ssyncset.done $0x0  }
0xa4: {  	s25 =	simm.s32 $0x1B8E;
	s24 =	sld [smem:$0x3FFE];
	[sflag:s23] =	ssyncadd.s32 $0xFFFFFFFF  }
0xa5: {  	s26 =	simm.s32 $execute0_lowered;
	[smem:$0x3FD2] =	sst s25  }
0xa6: {  	s4 =	sshll.u32 s26, $0x1;
	_ =	strace $0x80000046;
	[dreg:$0x1] =	wrdreg $0xFFFFFFFF  }
0xa7: {  	s28 =	simm.s32 $_size_execute0_lowered;
	s2 =	sadd.s32 s2, s4;
	[dreg:$0x0] =	wrdreg $0x0  }
0xa8: {  	s4 =	sshll.u32 s28, $0x1;
	[dreg:$0x2] =	wrdreg s2  }
0xa9: {  	[dreg:$0x3] =	wrdreg s4  }
0xaa: {  	[dreg:$0x4] =	wrdreg $0xC0  }
0xab: {  	_ =	task [dreg:s6], $0x5FFFF  }
0xac: {  	[dreg:$0x1] =	wrdreg $0xFFFFFFFF  }
0xad: {  	[dreg:$0x0] =	wrdreg $0x60  }
0xae: {  	[dreg:$0x2] =	wrdreg s24  }
0xaf: {  	[dreg:$0x3] =	wrdreg $0x9  }
0xb0: {  	_ =	task.clear_ibuf [dreg:s6], $0x4FFFF;
	_ =	strace $0x90000046  }
0xb1: {  	s29 =	simm.s32 $0x9;
	_ =	strace $0x80000048  }
0xb2: {  	_ =	swait.ge [sflag:s29], $0x1  }
0xb3: {  	[sflag:s29] =	ssyncadd.s32 $0xFFFFFFFF  }
0xb4: {  	_ =	strace $0x90000048  }
0xb5: {  	_ =	sfence  }
0xb6: {  	s30 =	sld [smem:$0x0];
	_ =	sdelay $0x2  }
0xb7: {  	s31 =	sshll.u32 s1, $0xD;
	s1 =	sshrl.u32 s1, $0x2  }
0xb8: {  	s3 =	sand.u32 $0x4000, s31;
	s1 =	sadd.s32 s1, s30  }
0xb9: {  	s0 =	sor.u32 s3, s0;
	s1 =	sshll.u32 s1, $0x11  }
0xba: {  	s0 =	sor.u32 s1, s0  }
0xbb: {  	s0 =	sadd.s32 $0x8F2B, s0  }
0xbc: {  	[sflag:s0] =	ssyncadd.remote.s32 $0x1  }
0xbd: {  	_ =	sfence.sel $0xFFFF  }
0xbe: {  	[dreg:$0x0] =	wrdreg $0xFFFFFFFF;
	(pc) =	sbr.abs _section_cstart, $3  }
0xbf: {  	[dreg:$0x1] =	wrdreg $0xFFFFFFFF  }
0xc0: {  	_ =	task.clear_ibuf [dreg:s6], $0x2FFFF;
	_ =	strace $0x9FFFFFFF  }
0xc1: {  	(tm) =	ssettm $0x7FFFFFFF  }
tec
execute0_lowered:
.L_overlay_start_1:
0x0: {  	(tag) =	ssettag $0x1  }
0x1: {  	s4 =	rddreg [dreg:$0x0]  }
0x2: {  	s0 =	rddreg [dreg:$0x1];
	s3 =	srdreg.scid  }
0x3: {  	s2 =	simm.s32 $0x0;
	s1 =	stileid.u32;
	s14 =	simm.s32 $0x100  }
0x4: {  	s15 =	simm.s32 $0x8100;
	s16 =	simm.s32 $0x1;
	s17 =	simm.s32 $0x0  }
0x5: {  	s5 =	sand.u32 $0x1, s3;
	[smem:$0x7FF] =	sst s2;
	s6 =	sshll.u32 s1, $0xA  }
0x6: {  	s3 =	sadd.s32 $0x2A00, s4;
	s8 =	sadd.s32 $0x1200, s4;
	s7 =	sshll.u32 s5, $0x9  }
0x7: {  	s11 =	sadd.s32 $0x3E00, s4;
	s5 =	ssub.s32 $0x2, s5;
	s7 =	sor.u32 s7, s6  }
0x8: {  	_ =	strace $0x80000047;
	s9 =	sshrl.u32 s5, $0x1;
	s6 =	sshrl.u32 s7, $0x3  }
0x9: {  	s12 =	ssub.s32 s5, s9;
	s31 =	sor.u32 $0x100, s7;
	s7 =	sshll.u32 s7, $0x4  }
0xa: {  	s4 =	sadd.s32 s8, s6;
	s10 =	sshrl.u32 s31, $0x3;
	s7 =	sadd.s32 s11, s7  }
0xb: {  	s13 =	sshll.u32 s31, $0x4;
	s12 =	smax.u32 s12, $0x1;
	s5 =	sadd.s32 $0x800, s4  }
0xc: {  	s6 =	sadd.s32 $0x1000, s4;
	s8 =	sadd.s32 s8, s10;
	s9 =	sadd.s32 $0x820, s4  }
0xd: {  	s10 =	sadd.s32 $0x1020, s4;
	s11 =	sadd.s32 s11, s13;
	s13 =	simm.s32 $0x2  }
.LBB2_1:
0xe: {  	[tilespmem:s2], [sflag:$0x2] =	stream.linear.gather [hbm4b:s4+s2], $0x100, $0x38;
	[tilespmem:$0x10100] =	vst v63  }
0xf: {  	_ =	swait.ge [sflag:s13], $0x100  }
0x10: {  	[sflag:s13] =	ssyncset.done $0x0  }
0x11: {  	[sflag:s13] =	ssyncadd.s32 $0xFFFFFF00  }
0x12: {  	[tilespmem:s15], [sflag:$0x1] =	stream.indirect.gather [hbm4b:s3+s14], $0x80, s2, s14, $0xb8;
	[tilespmem:$0x10100] =	vst v63  }
0x13: {  	_ =	swait.ge [sflag:s16], $0x8000  }
0x14: {  	[sflag:s16] =	ssyncset.done $0x0  }
0x15: {  	[sflag:s16] =	ssyncadd.s32 $0xFFFF8000  }
0x16: {  	[tilespmem:s2], [sflag:$0x2] =	stream.linear.gather [hbm4b:s5+s2], $0x100, $0x38;
	[tilespmem:$0x10100] =	vst v63  }
0x17: {  	_ =	swait.ge [sflag:s13], $0x100  }
0x18: {  	[sflag:s13] =	ssyncset.done $0x0  }
0x19: {  	[sflag:s13] =	ssyncadd.s32 $0xFFFFFF00  }
0x1a: {  	[tilespmem:s14], [sflag:$0x1] =	stream.indirect.gather [hbm4b:s3+s14], $0x80, s2, s14, $0xb8;
	[tilespmem:$0x10100] =	vst v63  }
0x1b: {  	_ =	swait.ge [sflag:s16], $0x8000  }
0x1c: {  	[sflag:s16] =	ssyncset.done $0x0  }
0x1d: {  	s18 =	simm.s32 $0x0;
	[sflag:s16] =	ssyncadd.s32 $0xFFFF8000  }
0x1e: {  	v7 =	vld [tilespmem:s18+$0x100]  }
0x1f: {  	v11 =	vld [tilespmem:s18+$0x110]  }
0x20: {  	v5 =	vld [tilespmem:s18+$0x120]  }
0x21: {  	v4 =	vld [tilespmem:s18+$0x130]  }
0x22: {  	v3 =	vld [tilespmem:s18+$0x140]  }
0x23: {  	v2 =	vld [tilespmem:s18+$0x150]  }
0x24: {  	v1 =	vld [tilespmem:s18+$0x160]  }
0x25: {  	v0 =	vld [tilespmem:s18+$0x170]  }
0x26: {  	v12 =	vld [tilespmem:s18+$0x8100]  }
0x27: {  	v13 =	vld [tilespmem:s18+$0x8110]  }
0x28: {  	v10 =	vld [tilespmem:s18+$0x8120]  }
0x29: {  	v9 =	vld [tilespmem:s18+$0x8130]  }
0x2a: {  	v8 =	vld [tilespmem:s18+$0x8140]  }
0x2b: {  	v6 =	vld [tilespmem:s18+$0x8150];
	v12 =	vadd.f32 v7, v12  }
0x2c: {  	s19 =	simm.s32 $0x200;
	v11 =	vadd.f32 v11, v13;
	v7 =	vld [tilespmem:s18+$0x8160]  }
.LBB2_2:
0x2d: {  	s20 =	sshra.s32 s19, $0x2;
	p0 =	sne.s32 s19, $0x1FE00;
	[tilespmem:s18+$0x8100] =	vst v12;
	v5 =	vadd.f32 v5, v10;
	v10 =	vld [tilespmem:s18+$0x8170]  }
0x2e: {  	v12 =	vld [tilespmem:s20+$0x100];
	[tilespmem:s18+$0x8110] =	vst v11;
	v4 =	vadd.f32 v4, v9  }
0x2f: {  	v11 =	vld [tilespmem:s20+$0x110];
	[tilespmem:s18+$0x8120] =	vst v5;
	v3 =	vadd.f32 v3, v8  }
0x30: {  	v5 =	vld [tilespmem:s20+$0x120];
	[tilespmem:s18+$0x8130] =	vst v4;
	v2 =	vadd.f32 v2, v6  }
0x31: {  	v4 =	vld [tilespmem:s20+$0x130];
	[tilespmem:s18+$0x8140] =	vst v3;
	v1 =	vadd.f32 v1, v7  }
0x32: {  	v3 =	vld [tilespmem:s20+$0x140];
	[tilespmem:s18+$0x8150] =	vst v2;
	v0 =	vadd.f32 v0, v10  }
0x33: {  	v2 =	vld [tilespmem:s20+$0x150];
	[tilespmem:s18+$0x8160] =	vst v1  }
0x34: {  	v1 =	vld [tilespmem:s20+$0x160];
	[tilespmem:s18+$0x8170] =	vst v0;
	s18 =	smov.u32 s20  }
0x35: {  	v0 =	vld [tilespmem:s18+$0x170]  }
0x36: {  	v6 =	vld [tilespmem:s18+$0x8100]  }
0x37: {  	v7 =	vld [tilespmem:s18+$0x8110]  }
.Ltmp0:
0x38: {  	v10 =	vld [tilespmem:s18+$0x8120];
	(pc) =	sbr.rel @p0 .LBB2_2-.Ltmp0, $4  }
0x39: {  	v9 =	vld [tilespmem:s18+$0x8130]  }
0x3a: {  	v8 =	vld [tilespmem:s18+$0x8140]  }
0x3b: {  	v12 =	vadd.f32 v12, v6;
	v6 =	vld [tilespmem:s18+$0x8150]  }
0x3c: {  	s19 =	sadd.s32 $0x200, s19;
	v11 =	vadd.f32 v11, v7;
	v7 =	vld [tilespmem:s18+$0x8160]  }
0x3d: {  	[tilespmem:s18+$0x8100] =	vst v12;
	v5 =	vadd.f32 v5, v10;
	v10 =	vld [tilespmem:s18+$0x8170]  }
0x3e: {  	[tilespmem:s18+$0x8110] =	vst v11;
	v4 =	vadd.f32 v4, v9  }
0x3f: {  	[tilespmem:s18+$0x8120] =	vst v5;
	v3 =	vadd.f32 v3, v8  }
0x40: {  	[tilespmem:s18+$0x8130] =	vst v4;
	v2 =	vadd.f32 v2, v6  }
0x41: {  	[tilespmem:s18+$0x8140] =	vst v3;
	v1 =	vadd.f32 v1, v7  }
0x42: {  	[tilespmem:s18+$0x8150] =	vst v2;
	v0 =	vadd.f32 v0, v10  }
0x43: {  	[tilespmem:s18+$0x8160] =	vst v1  }
0x44: {  	s31 =	simm.s32 $0x0;
	[tilespmem:s18+$0x8170] =	vst v0  }
0x45: {  	[tilespmem:s31], [sflag:$0x2] =	stream.linear.gather [hbm4b:s6+s31], $0x100, $0x38;
	[tilespmem:$0x10100] =	vst v63  }
0x46: {  	_ =	swait.ge [sflag:s13], $0x100  }
0x47: {  	[sflag:s13] =	ssyncset.done $0x0  }
0x48: {  	[sflag:s13] =	ssyncadd.s32 $0xFFFFFF00  }
0x49: {  	[tilespmem:s14], [sflag:$0x1] =	stream.indirect.gather [hbm4b:s3+s14], $0x80, s31, s14, $0xb8;
	[tilespmem:$0x10100] =	vst v63  }
0x4a: {  	_ =	swait.ge [sflag:s16], $0x8000  }
0x4b: {  	[sflag:s16] =	ssyncset.done $0x0  }
0x4c: {  	s18 =	simm.s32 $0x0;
	[sflag:s16] =	ssyncadd.s32 $0xFFFF8000  }
0x4d: {  	v7 =	vld [tilespmem:s18+$0x100]  }
0x4e: {  	v11 =	vld [tilespmem:s18+$0x110]  }
0x4f: {  	v5 =	vld [tilespmem:s18+$0x120]  }
0x50: {  	v4 =	vld [tilespmem:s18+$0x130]  }
0x51: {  	v3 =	vld [tilespmem:s18+$0x140]  }
0x52: {  	v2 =	vld [tilespmem:s18+$0x150]  }
0x53: {  	v1 =	vld [tilespmem:s18+$0x160]  }
0x54: {  	v0 =	vld [tilespmem:s18+$0x170]  }
0x55: {  	v12 =	vld [tilespmem:s18+$0x8100]  }
0x56: {  	v13 =	vld [tilespmem:s18+$0x8110]  }
0x57: {  	v10 =	vld [tilespmem:s18+$0x8120]  }
0x58: {  	v9 =	vld [tilespmem:s18+$0x8130]  }
0x59: {  	v8 =	vld [tilespmem:s18+$0x8140]  }
0x5a: {  	v6 =	vld [tilespmem:s18+$0x8150];
	v12 =	vadd.f32 v7, v12  }
0x5b: {  	s19 =	simm.s32 $0x200;
	v11 =	vadd.f32 v11, v13;
	v7 =	vld [tilespmem:s18+$0x8160]  }
.LBB2_4:
0x5c: {  	s20 =	sshra.s32 s19, $0x2;
	p0 =	sne.s32 s19, $0x1FE00;
	[tilespmem:s18+$0x8100] =	vst v12;
	v5 =	vadd.f32 v5, v10;
	v10 =	vld [tilespmem:s18+$0x8170]  }
0x5d: {  	v12 =	vld [tilespmem:s20+$0x100];
	[tilespmem:s18+$0x8110] =	vst v11;
	v4 =	vadd.f32 v4, v9  }
0x5e: {  	v11 =	vld [tilespmem:s20+$0x110];
	[tilespmem:s18+$0x8120] =	vst v5;
	v3 =	vadd.f32 v3, v8  }
0x5f: {  	v5 =	vld [tilespmem:s20+$0x120];
	[tilespmem:s18+$0x8130] =	vst v4;
	v2 =	vadd.f32 v2, v6  }
0x60: {  	v4 =	vld [tilespmem:s20+$0x130];
	[tilespmem:s18+$0x8140] =	vst v3;
	v1 =	vadd.f32 v1, v7  }
0x61: {  	v3 =	vld [tilespmem:s20+$0x140];
	[tilespmem:s18+$0x8150] =	vst v2;
	v0 =	vadd.f32 v0, v10  }
0x62: {  	v2 =	vld [tilespmem:s20+$0x150];
	[tilespmem:s18+$0x8160] =	vst v1  }
0x63: {  	v1 =	vld [tilespmem:s20+$0x160];
	[tilespmem:s18+$0x8170] =	vst v0;
	s18 =	smov.u32 s20  }
0x64: {  	v0 =	vld [tilespmem:s18+$0x170]  }
0x65: {  	v6 =	vld [tilespmem:s18+$0x8100]  }
0x66: {  	v7 =	vld [tilespmem:s18+$0x8110]  }
.Ltmp1:
0x67: {  	v10 =	vld [tilespmem:s18+$0x8120];
	(pc) =	sbr.rel @p0 .LBB2_4-.Ltmp1, $4  }
0x68: {  	v9 =	vld [tilespmem:s18+$0x8130]  }
0x69: {  	v8 =	vld [tilespmem:s18+$0x8140]  }
0x6a: {  	v12 =	vadd.f32 v12, v6;
	v6 =	vld [tilespmem:s18+$0x8150]  }
0x6b: {  	s19 =	sadd.s32 $0x200, s19;
	v11 =	vadd.f32 v11, v7;
	v7 =	vld [tilespmem:s18+$0x8160]  }
0x6c: {  	[tilespmem:s18+$0x8100] =	vst v12;
	v5 =	vadd.f32 v5, v10;
	v10 =	vld [tilespmem:s18+$0x8170]  }
0x6d: {  	[tilespmem:s18+$0x8110] =	vst v11;
	v4 =	vadd.f32 v4, v9  }
0x6e: {  	[tilespmem:s18+$0x8120] =	vst v5;
	v3 =	vadd.f32 v3, v8  }
0x6f: {  	[tilespmem:s18+$0x8130] =	vst v4;
	v2 =	vadd.f32 v2, v6  }
0x70: {  	[tilespmem:s18+$0x8140] =	vst v3;
	v1 =	vadd.f32 v1, v7  }
0x71: {  	[tilespmem:s18+$0x8150] =	vst v2;
	v0 =	vadd.f32 v0, v10  }
0x72: {  	[tilespmem:s18+$0x8160] =	vst v1  }
0x73: {  	s31 =	simm.s32 $0x0;
	[tilespmem:s18+$0x8170] =	vst v0  }
0x74: {  	[hbm4b:s7+s31] =	stream.linear.scatter [tilespmem:s15], [sflag:$0x2], $0x8000, $0x38;
	[tilespmem:$0x10100] =	vst v63  }
0x75: {  	_ =	swait.ge [sflag:s13], $0x8000  }
0x76: {  	[sflag:s13] =	ssyncset.done $0x0  }
0x77: {  	[sflag:s13] =	ssyncadd.s32 $0xFFFF8000  }
0x78: {  	[tilespmem:s31], [sflag:$0x2] =	stream.linear.gather [hbm4b:s8+s31], $0x100, $0x38;
	[tilespmem:$0x10100] =	vst v63  }
0x79: {  	_ =	swait.ge [sflag:s13], $0x100  }
0x7a: {  	[sflag:s13] =	ssyncset.done $0x0  }
0x7b: {  	[sflag:s13] =	ssyncadd.s32 $0xFFFFFF00  }
0x7c: {  	[tilespmem:s15], [sflag:$0x1] =	stream.indirect.gather [hbm4b:s3+s14], $0x80, s31, s14, $0xb8;
	[tilespmem:$0x10100] =	vst v63  }
0x7d: {  	_ =	swait.ge [sflag:s16], $0x8000  }
0x7e: {  	[sflag:s16] =	ssyncset.done $0x0  }
0x7f: {  	[sflag:s16] =	ssyncadd.s32 $0xFFFF8000  }
0x80: {  	[tilespmem:s31], [sflag:$0x2] =	stream.linear.gather [hbm4b:s9+s31], $0x100, $0x38;
	[tilespmem:$0x10100] =	vst v63  }
0x81: {  	_ =	swait.ge [sflag:s13], $0x100  }
0x82: {  	[sflag:s13] =	ssyncset.done $0x0  }
0x83: {  	[sflag:s13] =	ssyncadd.s32 $0xFFFFFF00  }
0x84: {  	[tilespmem:s14], [sflag:$0x1] =	stream.indirect.gather [hbm4b:s3+s14], $0x80, s31, s14, $0xb8;
	[tilespmem:$0x10100] =	vst v63  }
0x85: {  	_ =	swait.ge [sflag:s16], $0x8000  }
0x86: {  	[sflag:s16] =	ssyncset.done $0x0  }
0x87: {  	s18 =	simm.s32 $0x0;
	[sflag:s16] =	ssyncadd.s32 $0xFFFF8000  }
0x88: {  	v7 =	vld [tilespmem:s18+$0x100]  }
0x89: {  	v11 =	vld [tilespmem:s18+$0x110]  }
0x8a: {  	v5 =	vld [tilespmem:s18+$0x120]  }
0x8b: {  	v4 =	vld [tilespmem:s18+$0x130]  }
0x8c: {  	v3 =	vld [tilespmem:s18+$0x140]  }
0x8d: {  	v2 =	vld [tilespmem:s18+$0x150]  }
0x8e: {  	v1 =	vld [tilespmem:s18+$0x160]  }
0x8f: {  	v0 =	vld [tilespmem:s18+$0x170]  }
0x90: {  	v12 =	vld [tilespmem:s18+$0x8100]  }
0x91: {  	v13 =	vld [tilespmem:s18+$0x8110]  }
0x92: {  	v10 =	vld [tilespmem:s18+$0x8120]  }
0x93: {  	v9 =	vld [tilespmem:s18+$0x8130]  }
0x94: {  	v8 =	vld [tilespmem:s18+$0x8140]  }
0x95: {  	v6 =	vld [tilespmem:s18+$0x8150];
	v12 =	vadd.f32 v7, v12  }
0x96: {  	s19 =	simm.s32 $0x200;
	v11 =	vadd.f32 v11, v13;
	v7 =	vld [tilespmem:s18+$0x8160]  }
.LBB2_6:
0x97: {  	s20 =	sshra.s32 s19, $0x2;
	p0 =	sne.s32 s19, $0x1FE00;
	[tilespmem:s18+$0x8100] =	vst v12;
	v5 =	vadd.f32 v5, v10;
	v10 =	vld [tilespmem:s18+$0x8170]  }
0x98: {  	v12 =	vld [tilespmem:s20+$0x100];
	[tilespmem:s18+$0x8110] =	vst v11;
	v4 =	vadd.f32 v4, v9  }
0x99: {  	v11 =	vld [tilespmem:s20+$0x110];
	[tilespmem:s18+$0x8120] =	vst v5;
	v3 =	vadd.f32 v3, v8  }
0x9a: {  	v5 =	vld [tilespmem:s20+$0x120];
	[tilespmem:s18+$0x8130] =	vst v4;
	v2 =	vadd.f32 v2, v6  }
0x9b: {  	v4 =	vld [tilespmem:s20+$0x130];
	[tilespmem:s18+$0x8140] =	vst v3;
	v1 =	vadd.f32 v1, v7  }
0x9c: {  	v3 =	vld [tilespmem:s20+$0x140];
	[tilespmem:s18+$0x8150] =	vst v2;
	v0 =	vadd.f32 v0, v10  }
0x9d: {  	v2 =	vld [tilespmem:s20+$0x150];
	[tilespmem:s18+$0x8160] =	vst v1  }
0x9e: {  	v1 =	vld [tilespmem:s20+$0x160];
	[tilespmem:s18+$0x8170] =	vst v0;
	s18 =	smov.u32 s20  }
0x9f: {  	v0 =	vld [tilespmem:s18+$0x170]  }
0xa0: {  	v6 =	vld [tilespmem:s18+$0x8100]  }
0xa1: {  	v7 =	vld [tilespmem:s18+$0x8110]  }
.Ltmp2:
0xa2: {  	v10 =	vld [tilespmem:s18+$0x8120];
	(pc) =	sbr.rel @p0 .LBB2_6-.Ltmp2, $4  }
0xa3: {  	v9 =	vld [tilespmem:s18+$0x8130]  }
0xa4: {  	v8 =	vld [tilespmem:s18+$0x8140]  }
0xa5: {  	v12 =	vadd.f32 v12, v6;
	v6 =	vld [tilespmem:s18+$0x8150]  }
0xa6: {  	s19 =	sadd.s32 $0x200, s19;
	v11 =	vadd.f32 v11, v7;
	v7 =	vld [tilespmem:s18+$0x8160]  }
0xa7: {  	[tilespmem:s18+$0x8100] =	vst v12;
	v5 =	vadd.f32 v5, v10;
	v10 =	vld [tilespmem:s18+$0x8170]  }
0xa8: {  	[tilespmem:s18+$0x8110] =	vst v11;
	v4 =	vadd.f32 v4, v9  }
0xa9: {  	[tilespmem:s18+$0x8120] =	vst v5;
	v3 =	vadd.f32 v3, v8  }
0xaa: {  	[tilespmem:s18+$0x8130] =	vst v4;
	v2 =	vadd.f32 v2, v6  }
0xab: {  	[tilespmem:s18+$0x8140] =	vst v3;
	v1 =	vadd.f32 v1, v7  }
0xac: {  	[tilespmem:s18+$0x8150] =	vst v2;
	v0 =	vadd.f32 v0, v10  }
0xad: {  	[tilespmem:s18+$0x8160] =	vst v1  }
0xae: {  	s31 =	simm.s32 $0x0;
	[tilespmem:s18+$0x8170] =	vst v0  }
0xaf: {  	[tilespmem:s31], [sflag:$0x2] =	stream.linear.gather [hbm4b:s10+s31], $0x100, $0x38;
	[tilespmem:$0x10100] =	vst v63  }
0xb0: {  	_ =	swait.ge [sflag:s13], $0x100  }
0xb1: {  	[sflag:s13] =	ssyncset.done $0x0  }
0xb2: {  	[sflag:s13] =	ssyncadd.s32 $0xFFFFFF00  }
0xb3: {  	[tilespmem:s14], [sflag:$0x1] =	stream.indirect.gather [hbm4b:s3+s14], $0x80, s31, s14, $0xb8;
	[tilespmem:$0x10100] =	vst v63  }
0xb4: {  	_ =	swait.ge [sflag:s16], $0x8000  }
0xb5: {  	[sflag:s16] =	ssyncset.done $0x0  }
0xb6: {  	s18 =	simm.s32 $0x0;
	[sflag:s16] =	ssyncadd.s32 $0xFFFF8000  }
0xb7: {  	v7 =	vld [tilespmem:s18+$0x100]  }
0xb8: {  	v11 =	vld [tilespmem:s18+$0x110]  }
0xb9: {  	v5 =	vld [tilespmem:s18+$0x120]  }
0xba: {  	v4 =	vld [tilespmem:s18+$0x130]  }
0xbb: {  	v3 =	vld [tilespmem:s18+$0x140]  }
0xbc: {  	v2 =	vld [tilespmem:s18+$0x150]  }
0xbd: {  	v1 =	vld [tilespmem:s18+$0x160]  }
0xbe: {  	v0 =	vld [tilespmem:s18+$0x170]  }
0xbf: {  	v12 =	vld [tilespmem:s18+$0x8100]  }
0xc0: {  	v13 =	vld [tilespmem:s18+$0x8110]  }
0xc1: {  	v10 =	vld [tilespmem:s18+$0x8120]  }
0xc2: {  	v9 =	vld [tilespmem:s18+$0x8130]  }
0xc3: {  	v8 =	vld [tilespmem:s18+$0x8140]  }
0xc4: {  	v6 =	vld [tilespmem:s18+$0x8150];
	v12 =	vadd.f32 v7, v12  }
0xc5: {  	s19 =	simm.s32 $0x200;
	v11 =	vadd.f32 v11, v13;
	v7 =	vld [tilespmem:s18+$0x8160]  }
.LBB2_8:
0xc6: {  	s20 =	sshra.s32 s19, $0x2;
	p0 =	sne.s32 s19, $0x1FE00;
	[tilespmem:s18+$0x8100] =	vst v12;
	v5 =	vadd.f32 v5, v10;
	v10 =	vld [tilespmem:s18+$0x8170]  }
0xc7: {  	v12 =	vld [tilespmem:s20+$0x100];
	[tilespmem:s18+$0x8110] =	vst v11;
	v4 =	vadd.f32 v4, v9  }
0xc8: {  	v11 =	vld [tilespmem:s20+$0x110];
	[tilespmem:s18+$0x8120] =	vst v5;
	v3 =	vadd.f32 v3, v8  }
0xc9: {  	v5 =	vld [tilespmem:s20+$0x120];
	[tilespmem:s18+$0x8130] =	vst v4;
	v2 =	vadd.f32 v2, v6  }
0xca: {  	v4 =	vld [tilespmem:s20+$0x130];
	[tilespmem:s18+$0x8140] =	vst v3;
	v1 =	vadd.f32 v1, v7  }
0xcb: {  	v3 =	vld [tilespmem:s20+$0x140];
	[tilespmem:s18+$0x8150] =	vst v2;
	v0 =	vadd.f32 v0, v10  }
0xcc: {  	v2 =	vld [tilespmem:s20+$0x150];
	[tilespmem:s18+$0x8160] =	vst v1  }
0xcd: {  	v1 =	vld [tilespmem:s20+$0x160];
	[tilespmem:s18+$0x8170] =	vst v0;
	s18 =	smov.u32 s20  }
0xce: {  	v0 =	vld [tilespmem:s18+$0x170]  }
0xcf: {  	v6 =	vld [tilespmem:s18+$0x8100]  }
0xd0: {  	v7 =	vld [tilespmem:s18+$0x8110]  }
.Ltmp3:
0xd1: {  	v10 =	vld [tilespmem:s18+$0x8120];
	(pc) =	sbr.rel @p0 .LBB2_8-.Ltmp3, $4  }
0xd2: {  	v9 =	vld [tilespmem:s18+$0x8130]  }
0xd3: {  	v8 =	vld [tilespmem:s18+$0x8140]  }
0xd4: {  	v12 =	vadd.f32 v12, v6;
	v6 =	vld [tilespmem:s18+$0x8150]  }
0xd5: {  	s19 =	sadd.s32 $0x200, s19;
	v11 =	vadd.f32 v11, v7;
	v7 =	vld [tilespmem:s18+$0x8160]  }
0xd6: {  	[tilespmem:s18+$0x8100] =	vst v12;
	v5 =	vadd.f32 v5, v10;
	v63 =	vld [tilespmem:s18+$0x8170]  }
0xd7: {  	[tilespmem:s18+$0x8110] =	vst v11;
	v4 =	vadd.f32 v4, v9  }
0xd8: {  	[tilespmem:s18+$0x8120] =	vst v5;
	v3 =	vadd.f32 v3, v8  }
0xd9: {  	[tilespmem:s18+$0x8130] =	vst v4;
	v2 =	vadd.f32 v2, v6  }
0xda: {  	[tilespmem:s18+$0x8140] =	vst v3;
	v1 =	vadd.f32 v1, v7  }
0xdb: {  	s17 =	sadd.s32 $0x1, s17;
	[tilespmem:s18+$0x8150] =	vst v2;
	v0 =	vadd.f32 v0, v63  }
0xdc: {  	p0 =	sne.s32 s17, s12;
	[tilespmem:s18+$0x8160] =	vst v1  }
.Ltmp4:
0xdd: {  	[tilespmem:s18+$0x8170] =	vst v0;
	(pc) =	sbr.rel @p0 .LBB2_1-.Ltmp4, $4  }
0xde: {  	[hbm4b:s11+s2] =	stream.linear.scatter [tilespmem:s15], [sflag:$0x2], $0x8000, $0x38;
	[tilespmem:$0x10100] =	vst v63  }
0xdf: {  	_ =	swait.ge [sflag:s13], $0x8000  }
0xe0: {  	[sflag:s13] =	ssyncset.done $0x0  }
0xe1: {  	[sflag:s13] =	ssyncadd.s32 $0xFFFF8000  }
0xe2: {  	_ =	sfence.sel $0x180000  }
0xe3: {  	[bflag:$0x0] =	sbarrier.arrive $0xFFFF  }
0xe4: {  	p0 =	sne.s32 s1, $0x0;
	_ =	strace $0x90000047  }
0xe5: {  	s0 =	sadd.s32 @!p0 $0x100000, s0;
	[bflag:$0x2] =	sbarrier.arrive $0xFFFF  }
0xe6: {  	[sflag:s0] =	ssyncadd.tile.s32 @!p0 $0x1;
	_ =	shalt  }
.Lfunc_end2:
_tile_overlayer_lowered:
.L_overlay_start_2:
0xe7: {  	(tag) =	ssettag $0x2  }
0xe8: {  	s0 =	rddreg [dreg:$0x0];
	s2 =	stileid.u32  }
0xe9: {  	s1 =	rddreg [dreg:$0x1];
	p0 =	sne.s32 s2, $0x0  }
0xea: {  	s3 =	rddreg [dreg:$0x2];
	[bflag:$0x3] =	sbarrier.arrive $0xFFFF;
	s2 =	simm.s32 @!p0 $0x1C02  }
0xeb: {  	[timem:s3], [sflag:s2] =	dma.local @!p0 [hbm:s0], s1  }
0xec: {  	s0 =	simm.s32 @!p0 $0x2  }
0xed: {  	_ =	swait.ge @!p0 [sflag:s0], s1  }
0xee: {  	s1 =	ssub.s32 @!p0 $0x0, s1;
	[sflag:s0] =	ssyncset.done @!p0 $0x0  }
0xef: {  	[sflag:s0] =	ssyncadd.s32 @!p0 s1  }
0xf0: {  	[bflag:$0x3] =	sbarrier.arrive $0xFFFF  }
0xf1: {  	_ =	shalt  }

</sc_bundles>
